<compile_context>
chip_gen: v7x
topology: tpu7x:2x2x1
jax: 0.10.2.dev20260603
libtpu: 0.0.44.dev20260713+nightly
codegen_flags: <defaults>
</compile_context>

<pallas_src>
import functools

import jax
import jax.numpy as jnp
from jax import lax
from jax.experimental import pallas as pl
from jax.experimental.pallas import tpu as pltpu
from jax.experimental.pallas import tpu_sc as plsc

E = 1_600_000
N = 50_000
NPAD = 50_176
DUMP = 50_160
NC, NS = 2, 16
NW = NC * NS
EW = E // NW
VPW = EW // 16
G = 25
NG = VPW // G
ZCH = NPAD // NS
QS = 5000
NPT = NPAD // NW
NLAST = N - (NW - 1) * NPT

_mesh = plsc.VectorSubcoreMesh(core_axis_name="c", subcore_axis_name="s")


@functools.partial(
    pl.kernel,
    out_type=jax.ShapeDtypeStruct((NC * NPAD,), jnp.int32),
    mesh=_mesh,
    compiler_params=pltpu.CompilerParams(needs_layout_passes=False),
    scratch_types=[
        pltpu.VMEM((EW,), jnp.int32),
        pltpu.VMEM((EW + 16,), jnp.int32),
        pltpu.VMEM((ZCH,), jnp.int32),
        pltpu.VMEM((16,), jnp.int32),
        pltpu.VMEM((16,), jnp.int32),
        pltpu.VMEM((16,), jnp.int32),
        pltpu.SemaphoreType.DMA,
    ],
)
def _hits_kernel(edges_flat, vvec, out, dst_buf, hit_buf, zbuf, vv_buf,
                 ones_buf, gath_buf, dsem):
    c = lax.axis_index("c")
    s = lax.axis_index("s")
    wid = c * NS + s
    base = wid * EW
    row = c * NPAD
    iota = lax.iota(jnp.int32, 16)

    pltpu.sync_copy(vvec, vv_buf)
    vv = vv_buf[...]
    ones_buf[...] = jnp.ones((16,), jnp.int32)

    zero = jnp.zeros((16,), jnp.int32)

    def _zb(i, carry):
        zbuf[pl.ds(i * 16, 16)] = zero
        return carry

    lax.fori_loop(0, ZCH // 16, _zb, 0)
    pltpu.sync_copy(zbuf, out.at[pl.ds(row + s * ZCH, ZCH)])

    nq = EW // QS
    for q in range(nq):
        pltpu.async_copy(
            edges_flat.at[pl.ds(E + base + q * QS, QS)],
            dst_buf.at[pl.ds(q * QS, QS)], dsem)
    for q in range(nq):
        pltpu.make_async_copy(
            edges_flat.at[pl.ds(E + base + q * QS, QS)],
            dst_buf.at[pl.ds(q * QS, QS)], dsem).wait()

    plsc.subcore_barrier()

    def _group(g, cnt):
        j0 = g * G
        macc = None
        for u in range(G):
            d = dst_buf[pl.ds((j0 + u) * 16, 16)]
            m = d == vv
            macc = m if macc is None else (macc | m)

        def _slow(cn):
            for u in range(G):
                j = j0 + u
                d = dst_buf[pl.ds(j * 16, 16)]
                m = d == vv
                lidx = j * 16 + iota
                plsc.store_compressed(hit_buf.at[pl.ds(cn, 16)], lidx, mask=m)
                cn = cn + jnp.sum(m.astype(jnp.int32))
            return cn

        return lax.cond(jnp.any(macc), _slow, lambda x: x, cnt)

    cnt = lax.fori_loop(0, NG, _group, jnp.int32(0))

    def _scatter(k, carry):
        valid = (k * 16 + iota) < cnt
        lidx = hit_buf[pl.ds(k * 16, 16)]
        gidx = jnp.where(valid, base + lidx, 0)
        pltpu.sync_copy(edges_flat.at[gidx], gath_buf)
        sidx = row + jnp.where(valid, gath_buf[...], DUMP)
        pltpu.sync_copy(ones_buf, out.at[sidx])
        return carry

    nch = (cnt + 15) // 16
    lax.fori_loop(0, nch, _scatter, 0)

    @pl.when(wid == 0)
    def _():
        vidx = jnp.where(iota == 0, vv, DUMP)
        pltpu.sync_copy(ones_buf, out.at[vidx])


@functools.partial(
    pl.kernel,
    out_type=jax.ShapeDtypeStruct((N,), jnp.float32),
    mesh=_mesh,
    compiler_params=pltpu.CompilerParams(needs_layout_passes=False),
    scratch_types=[
        pltpu.VMEM((NPT,), jnp.int32),
        pltpu.VMEM((NPT,), jnp.int32),
        pltpu.VMEM((NPT,), jnp.float32),
    ],
)
def _mask_kernel(bm, out, b0, b1, mbuf):
    c = lax.axis_index("c")
    s = lax.axis_index("s")
    w = c * NS + s
    nbase = w * NPT
    pltpu.sync_copy(bm.at[pl.ds(nbase, NPT)], b0)
    pltpu.sync_copy(bm.at[pl.ds(NPAD + nbase, NPT)], b1)
    neg = jnp.full((16,), -jnp.inf, jnp.float32)
    zer = jnp.zeros((16,), jnp.float32)

    def _vb(j, carry):
        b = b0[pl.ds(j * 16, 16)] | b1[pl.ds(j * 16, 16)]
        mbuf[pl.ds(j * 16, 16)] = jnp.where(b != 0, zer, neg)
        return carry

    lax.fori_loop(0, NPT // 16, _vb, 0)

    @pl.when(w < NW - 1)
    def _():
        pltpu.sync_copy(mbuf, out.at[pl.ds(nbase, NPT)])

    @pl.when(w == NW - 1)
    def _():
        pltpu.sync_copy(mbuf.at[pl.ds(0, NLAST)], out.at[pl.ds(nbase, NLAST)])


_mesh1 = plsc.VectorSubcoreMesh(core_axis_name="c", subcore_axis_name="s",
                                num_cores=1)


@functools.partial(
    pl.kernel,
    out_type=jax.ShapeDtypeStruct((N,), jnp.float32),
    mesh=_mesh1,
    compiler_params=pltpu.CompilerParams(needs_layout_passes=False),
    scratch_types=[
        pltpu.VMEM((ZCH,), jnp.int32),
        pltpu.VMEM((ZCH,), jnp.int32),
        pltpu.VMEM((ZCH,), jnp.float32),
    ],
)
def _mask1_kernel(bm, out, b0, b1, mbuf):
    s = lax.axis_index("s")
    nbase = s * ZCH
    pltpu.sync_copy(bm.at[pl.ds(nbase, ZCH)], b0)
    pltpu.sync_copy(bm.at[pl.ds(NPAD + nbase, ZCH)], b1)
    neg = jnp.full((16,), -jnp.inf, jnp.float32)
    zer = jnp.zeros((16,), jnp.float32)

    def _vb(j, carry):
        b = b0[pl.ds(j * 16, 16)] | b1[pl.ds(j * 16, 16)]
        mbuf[pl.ds(j * 16, 16)] = jnp.where(b != 0, zer, neg)
        return carry

    lax.fori_loop(0, ZCH // 16, _vb, 0)

    @pl.when(s < NS - 1)
    def _():
        pltpu.sync_copy(mbuf, out.at[pl.ds(nbase, ZCH)])

    @pl.when(s == NS - 1)
    def _():
        nl = N - (NS - 1) * ZCH
        pltpu.sync_copy(mbuf.at[pl.ds(0, nl)], out.at[pl.ds(nbase, nl)])


def kernel(logits, edges, vertex):
    del logits
    edges_flat = edges.astype(jnp.int32).reshape(-1)
    vvec = jnp.full((16,), vertex, jnp.int32)
    bm = _hits_kernel(edges_flat, vvec)
    return _mask_kernel(bm)

# --- scband reference (transcript-rebuilt; emitter-appended) ---
"""Pipeline reference for scband-mask-43327630082669 (READ-ONLY COPY).

The authoritative reference and input builder live on the scoring server;
editing this copy changes nothing except your own understanding.
"""

import jax, jax.numpy as jnp
import numpy as np

N_NODES = 50000
N_EDGES = 1600000


def setup_inputs(seed: int = 0) -> dict:
    key = jax.random.key(seed)
    k1, k2 = jax.random.split(key)
    logits = jax.random.normal(k1, (N_NODES,), dtype=jnp.float32)
    edges = jax.random.randint(k2, (2, N_EDGES), 0, N_NODES).astype(jnp.int64)
    vertex = 12345
    return {"logits": logits, "edges": edges, "vertex": vertex}


def reference(logits, edges, vertex):
    # k_hop_subgraph(vertex, 1, edges) with default flow='source_to_target':
    # included nodes = {vertex} U {source u of every edge (u -> vertex)}
    n = logits.shape[0]
    src = edges[0]
    dst = edges[1]
    included = jnp.zeros((n,), dtype=bool).at[vertex].set(True)
    hit = dst == vertex
    included = included.at[src].max(hit)
    # mask = -inf everywhere, 0 at included indices (scatter-overwrite)
    mask = jnp.where(included, jnp.zeros_like(logits), jnp.full_like(logits, -jnp.inf))
    return mask

if __name__ == "__main__":
    import jax
    _d = setup_inputs()
    print(jax.jit(kernel)(*tuple(_d.values())))

</pallas_src>

<mosaic_0001>
#map = affine_map<(d0, d1) -> (0)>
module attributes {stable_mosaic.version = 14 : i64} {
  func.func @_mask_kernel(%arg0: i32, %arg1: i32, %arg2: memref<100352xi32, #tpu.memory_space<hbm>>, %arg3: memref<50000xf32, #tpu.memory_space<hbm>>, %arg4: memref<1568xi32, #tpu.memory_space<vmem>>, %arg5: memref<1568xi32, #tpu.memory_space<vmem>>, %arg6: memref<1568xf32, #tpu.memory_space<vmem>>) attributes {dimension_semantics = [#tpu.dimension_semantics<core_parallel>, #tpu.dimension_semantics<subcore_parallel>], iteration_bounds = array<i64: 2, 16>, scalar_prefetch = 0 : i64, scratch_operands = 3 : i64, tpu.core_type = #tpu.core_type<sc_vector_subcore>, window_params = [{transform_indices = #map}, {transform_indices = #map}]} {
    %mul3A = arith.constant 16 : i32
    %mul3A_0 = arith.muli %arg0, %mul3A : i32
    %add3A = arith.addi %mul3A_0, %arg1 : i32
    %mul3A_1 = arith.constant 1568 : i32
    %mul3A_2 = arith.muli %add3A, %mul3A_1 : i32
    "tpu.region"() ({
      %run_scoped3A = tpu.sem_alloc : memref<!tpu.dma_semaphore, #tpu.memory_space<semaphore_mem>>
      %dma_start3A = tpu.memref_slice %arg2[%mul3A_2] : memref<100352xi32, #tpu.memory_space<hbm>> -> memref<1568xi32, #tpu.memory_space<hbm>>
      %dma_start3A_19 = tpu.memref_slice %arg2[%mul3A_2] : memref<100352xi32, #tpu.memory_space<hbm>> -> memref<1568xi32, #tpu.memory_space<hbm>>
      tpu.enqueue_dma source(%dma_start3A_19 : memref<1568xi32, #tpu.memory_space<hbm>>) target(%arg4 : memref<1568xi32, #tpu.memory_space<vmem>>) target_semaphore(%run_scoped3A : memref<!tpu.dma_semaphore, #tpu.memory_space<semaphore_mem>>)
      %dma_wait3A = tpu.memref_slice %arg2[%mul3A_2] : memref<100352xi32, #tpu.memory_space<hbm>> -> memref<1568xi32, #tpu.memory_space<hbm>>
      %dma_wait3A_20 = tpu.memref_slice %arg2[%mul3A_2] : memref<100352xi32, #tpu.memory_space<hbm>> -> memref<1568xi32, #tpu.memory_space<hbm>>
      tpu.wait_dma2 semaphore(%run_scoped3A : memref<!tpu.dma_semaphore, #tpu.memory_space<semaphore_mem>>) src(%dma_wait3A_20 : memref<1568xi32, #tpu.memory_space<hbm>>) dst(%arg4 : memref<1568xi32, #tpu.memory_space<vmem>>)
      tpu.yield
    }) : () -> ()
    %add3A_3 = arith.constant 50176 : i32
    %add3A_4 = arith.addi %add3A_3, %mul3A_2 : i32
    "tpu.region"() ({
      %run_scoped3A = tpu.sem_alloc : memref<!tpu.dma_semaphore, #tpu.memory_space<semaphore_mem>>
      %dma_start3A = tpu.memref_slice %arg2[%add3A_4] : memref<100352xi32, #tpu.memory_space<hbm>> -> memref<1568xi32, #tpu.memory_space<hbm>>
      %dma_start3A_19 = tpu.memref_slice %arg2[%add3A_4] : memref<100352xi32, #tpu.memory_space<hbm>> -> memref<1568xi32, #tpu.memory_space<hbm>>
      tpu.enqueue_dma source(%dma_start3A_19 : memref<1568xi32, #tpu.memory_space<hbm>>) target(%arg5 : memref<1568xi32, #tpu.memory_space<vmem>>) target_semaphore(%run_scoped3A : memref<!tpu.dma_semaphore, #tpu.memory_space<semaphore_mem>>)
      %dma_wait3A = tpu.memref_slice %arg2[%add3A_4] : memref<100352xi32, #tpu.memory_space<hbm>> -> memref<1568xi32, #tpu.memory_space<hbm>>
      %dma_wait3A_20 = tpu.memref_slice %arg2[%add3A_4] : memref<100352xi32, #tpu.memory_space<hbm>> -> memref<1568xi32, #tpu.memory_space<hbm>>
      tpu.wait_dma2 semaphore(%run_scoped3A : memref<!tpu.dma_semaphore, #tpu.memory_space<semaphore_mem>>) src(%dma_wait3A_20 : memref<1568xi32, #tpu.memory_space<hbm>>) dst(%arg5 : memref<1568xi32, #tpu.memory_space<vmem>>)
      tpu.yield
    }) : () -> ()
    %broadcast_in_dim3A = arith.constant 0xFF800000 : f32
    %broadcast_in_dim3A_5 = vector.broadcast %broadcast_in_dim3A : f32 to vector<16xf32>
    %broadcast_in_dim3A_6 = arith.constant 0.000000e+00 : f32
    %broadcast_in_dim3A_7 = vector.broadcast %broadcast_in_dim3A_6 : f32 to vector<16xf32>
    %scan3A = arith.constant 0 : i32
    %scan3A_8 = arith.constant 0 : i32
    %scan3A_9 = arith.constant 98 : i32
    %scan3A_10 = arith.addi %scan3A_8, %scan3A_9 : i32
    %scan3A_11 = arith.constant 1 : i32
    scf.for %scan3A_19 = %scan3A_8 to %scan3A_10 step %scan3A_11  : i32 {
      %mul3A_20 = arith.constant 16 : i32
      %mul3A_21 = arith.muli %scan3A_19, %mul3A_20 : i32
      %get3A = arith.index_cast %mul3A_21 : i32 to index
      %get3A_22 = tpu.vector_load %arg4[%get3A] {strides = array<i32>} : memref<1568xi32, #tpu.memory_space<vmem>>, vector<16xi32>,
      %mul3A_23 = arith.constant 16 : i32
      %mul3A_24 = arith.muli %scan3A_19, %mul3A_23 : i32
      %get3A_25 = arith.index_cast %mul3A_24 : i32 to index
      %get3A_26 = tpu.vector_load %arg5[%get3A_25] {strides = array<i32>} : memref<1568xi32, #tpu.memory_space<vmem>>, vector<16xi32>,
      %or3A = arith.ori %get3A_22, %get3A_26 : vector<16xi32>
      %ne3A = arith.constant 0 : i32
      %ne3A_27 = vector.broadcast %ne3A : i32 to vector<16xi32>
      %ne3A_28 = arith.cmpi ne, %or3A, %ne3A_27 : vector<16xi32>
      %select_n3A = arith.select %ne3A_28, %broadcast_in_dim3A_7, %broadcast_in_dim3A_5 : vector<16xi1>, vector<16xf32>
      %mul3A_29 = arith.constant 16 : i32
      %mul3A_30 = arith.muli %scan3A_19, %mul3A_29 : i32
      %swap3A = arith.index_cast %mul3A_30 : i32 to index
      %swap3A_31 = tpu.vector_load %arg6[%swap3A] {strides = array<i32>} : memref<1568xf32, #tpu.memory_space<vmem>>, vector<16xf32>,
      tpu.vector_store %arg6[%swap3A], %select_n3A {strides = array<i32>} : memref<1568xf32, #tpu.memory_space<vmem>>, vector<16xf32>,
    }
    %scan3A_12 = arith.constant 98 : i32
    %lt3A = arith.constant 31 : i32
    %lt3A_13 = arith.cmpi slt, %add3A, %lt3A : i32
    %convert_element_type3A = arith.extui %lt3A_13 : i1 to i32
    %cond3A = arith.constant 0 : i32
    %cond3A_14 = arith.cmpi ne, %convert_element_type3A, %cond3A : i32
    scf.if %cond3A_14 {
      "tpu.region"() ({
        %run_scoped3A = tpu.sem_alloc : memref<!tpu.dma_semaphore, #tpu.memory_space<semaphore_mem>>
        %dma_start3A = tpu.memref_slice %arg3[%mul3A_2] : memref<50000xf32, #tpu.memory_space<hbm>> -> memref<1568xf32, #tpu.memory_space<hbm>>
        %dma_start3A_19 = tpu.memref_slice %arg3[%mul3A_2] : memref<50000xf32, #tpu.memory_space<hbm>> -> memref<1568xf32, #tpu.memory_space<hbm>>
        tpu.enqueue_dma source(%arg6 : memref<1568xf32, #tpu.memory_space<vmem>>) target(%dma_start3A_19 : memref<1568xf32, #tpu.memory_space<hbm>>) target_semaphore(%run_scoped3A : memref<!tpu.dma_semaphore, #tpu.memory_space<semaphore_mem>>)
        %dma_wait3A = tpu.memref_slice %arg3[%mul3A_2] : memref<50000xf32, #tpu.memory_space<hbm>> -> memref<1568xf32, #tpu.memory_space<hbm>>
        %dma_wait3A_20 = tpu.memref_slice %arg3[%mul3A_2] : memref<50000xf32, #tpu.memory_space<hbm>> -> memref<1568xf32, #tpu.memory_space<hbm>>
        tpu.wait_dma2 semaphore(%run_scoped3A : memref<!tpu.dma_semaphore, #tpu.memory_space<semaphore_mem>>) src(%arg6 : memref<1568xf32, #tpu.memory_space<vmem>>) dst(%dma_wait3A_20 : memref<1568xf32, #tpu.memory_space<hbm>>)
        tpu.yield
      }) : () -> ()
    } else {
    }
    %eq3A = arith.constant 31 : i32
    %eq3A_15 = arith.cmpi eq, %add3A, %eq3A : i32
    %convert_element_type3A_16 = arith.extui %eq3A_15 : i1 to i32
    %cond3A_17 = arith.constant 0 : i32
    %cond3A_18 = arith.cmpi ne, %convert_element_type3A_16, %cond3A_17 : i32
    scf.if %cond3A_18 {
      "tpu.region"() ({
        %run_scoped3A = tpu.sem_alloc : memref<!tpu.dma_semaphore, #tpu.memory_space<semaphore_mem>>
        %dma_start3A = arith.constant 0 : i32
        %dma_start3A_19 = tpu.memref_slice %arg6[%dma_start3A] : memref<1568xf32, #tpu.memory_space<vmem>> -> memref<1392xf32, #tpu.memory_space<vmem>>
        %dma_start3A_20 = tpu.memref_slice %arg3[%mul3A_2] : memref<50000xf32, #tpu.memory_space<hbm>> -> memref<1392xf32, #tpu.memory_space<hbm>>
        %dma_start3A_21 = tpu.memref_slice %arg3[%mul3A_2] : memref<50000xf32, #tpu.memory_space<hbm>> -> memref<1392xf32, #tpu.memory_space<hbm>>
        %dma_start3A_22 = arith.constant 0 : i32
        %dma_start3A_23 = tpu.memref_slice %arg6[%dma_start3A_22] : memref<1568xf32, #tpu.memory_space<vmem>> -> memref<1392xf32, #tpu.memory_space<vmem>>
        tpu.enqueue_dma source(%dma_start3A_23 : memref<1392xf32, #tpu.memory_space<vmem>>) target(%dma_start3A_21 : memref<1392xf32, #tpu.memory_space<hbm>>) target_semaphore(%run_scoped3A : memref<!tpu.dma_semaphore, #tpu.memory_space<semaphore_mem>>)
        %dma_wait3A = arith.constant 0 : i32
        %dma_wait3A_24 = tpu.memref_slice %arg6[%dma_wait3A] : memref<1568xf32, #tpu.memory_space<vmem>> -> memref<1392xf32, #tpu.memory_space<vmem>>
        %dma_wait3A_25 = tpu.memref_slice %arg3[%mul3A_2] : memref<50000xf32, #tpu.memory_space<hbm>> -> memref<1392xf32, #tpu.memory_space<hbm>>
        %dma_wait3A_26 = tpu.memref_slice %arg3[%mul3A_2] : memref<50000xf32, #tpu.memory_space<hbm>> -> memref<1392xf32, #tpu.memory_space<hbm>>
        %dma_wait3A_27 = arith.constant 0 : i32
        %dma_wait3A_28 = tpu.memref_slice %arg6[%dma_wait3A_27] : memref<1568xf32, #tpu.memory_space<vmem>> -> memref<1392xf32, #tpu.memory_space<vmem>>
        tpu.wait_dma2 semaphore(%run_scoped3A : memref<!tpu.dma_semaphore, #tpu.memory_space<semaphore_mem>>) src(%dma_wait3A_28 : memref<1392xf32, #tpu.memory_space<vmem>>) dst(%dma_wait3A_26 : memref<1392xf32, #tpu.memory_space<hbm>>)
        tpu.yield
      }) : () -> ()
    } else {
    }
    return
  }
}

#map = affine_map<(d0, d1) -> (0)>
module attributes {stable_mosaic.version = 14 : i64} {
  func.func @_hits_kernel(%arg0: i32, %arg1: i32, %arg2: memref<3200000xi32, #tpu.memory_space<hbm>>, %arg3: memref<16xi32, #tpu.memory_space<hbm>>, %arg4: memref<100352xi32, #tpu.memory_space<hbm>>, %arg5: memref<50000xi32, #tpu.memory_space<vmem>>, %arg6: memref<50016xi32, #tpu.memory_space<vmem>>, %arg7: memref<3136xi32, #tpu.memory_space<vmem>>, %arg8: memref<16xi32, #tpu.memory_space<vmem>>, %arg9: memref<16xi32, #tpu.memory_space<vmem>>, %arg10: memref<16xi32, #tpu.memory_space<vmem>>, %arg11: memref<!tpu.dma_semaphore, #tpu.memory_space<semaphore_mem>>) attributes {dimension_semantics = [#tpu.dimension_semantics<core_parallel>, #tpu.dimension_semantics<subcore_parallel>], iteration_bounds = array<i64: 2, 16>, scalar_prefetch = 0 : i64, scratch_operands = 7 : i64, tpu.core_type = #tpu.core_type<sc_vector_subcore>, window_params = [{transform_indices = #map}, {transform_indices = #map}, {transform_indices = #map}]} {
    %mul3A = arith.constant 16 : i32
    %mul3A_0 = arith.muli %arg0, %mul3A : i32
    %add3A = arith.addi %mul3A_0, %arg1 : i32
    %mul3A_1 = arith.constant 50000 : i32
    %mul3A_2 = arith.muli %add3A, %mul3A_1 : i32
    %mul3A_3 = arith.constant 50176 : i32
    %mul3A_4 = arith.muli %arg0, %mul3A_3 : i32
    %iota3A = tpu.iota {dimensions = array<i32: 0>} : vector<16xi32>
    "tpu.region"() ({
      %run_scoped3A = tpu.sem_alloc : memref<!tpu.dma_semaphore, #tpu.memory_space<semaphore_mem>>
      tpu.enqueue_dma source(%arg3 : memref<16xi32, #tpu.memory_space<hbm>>) target(%arg8 : memref<16xi32, #tpu.memory_space<vmem>>) target_semaphore(%run_scoped3A : memref<!tpu.dma_semaphore, #tpu.memory_space<semaphore_mem>>)
      tpu.wait_dma2 semaphore(%run_scoped3A : memref<!tpu.dma_semaphore, #tpu.memory_space<semaphore_mem>>) src(%arg3 : memref<16xi32, #tpu.memory_space<hbm>>) dst(%arg8 : memref<16xi32, #tpu.memory_space<vmem>>)
      tpu.yield
    }) : () -> ()
    %get3A = arith.constant 0 : index
    %get3A_5 = tpu.vector_load %arg8[%get3A] {strides = array<i32>} : memref<16xi32, #tpu.memory_space<vmem>>, vector<16xi32>,
    %broadcast_in_dim3A = arith.constant 1 : i32
    %broadcast_in_dim3A_6 = vector.broadcast %broadcast_in_dim3A : i32 to vector<16xi32>
    %swap3A = arith.constant 0 : index
    %swap3A_7 = tpu.vector_load %arg9[%swap3A] {strides = array<i32>} : memref<16xi32, #tpu.memory_space<vmem>>, vector<16xi32>,
    tpu.vector_store %arg9[%swap3A], %broadcast_in_dim3A_6 {strides = array<i32>} : memref<16xi32, #tpu.memory_space<vmem>>, vector<16xi32>,
    %broadcast_in_dim3A_8 = arith.constant 0 : i32
    %broadcast_in_dim3A_9 = vector.broadcast %broadcast_in_dim3A_8 : i32 to vector<16xi32>
    %scan3A = arith.constant 0 : i32
    %scan3A_10 = arith.constant 0 : i32
    %scan3A_11 = arith.constant 196 : i32
    %scan3A_12 = arith.addi %scan3A_10, %scan3A_11 : i32
    %scan3A_13 = arith.constant 1 : i32
    scf.for %scan3A_252 = %scan3A_10 to %scan3A_12 step %scan3A_13  : i32 {
      %mul3A_253 = arith.constant 16 : i32
      %mul3A_254 = arith.muli %scan3A_252, %mul3A_253 : i32
      %swap3A_255 = arith.index_cast %mul3A_254 : i32 to index
      %swap3A_256 = tpu.vector_load %arg7[%swap3A_255] {strides = array<i32>} : memref<3136xi32, #tpu.memory_space<vmem>>, vector<16xi32>,
      tpu.vector_store %arg7[%swap3A_255], %broadcast_in_dim3A_9 {strides = array<i32>} : memref<3136xi32, #tpu.memory_space<vmem>>, vector<16xi32>,
    }
    %scan3A_14 = arith.constant 196 : i32
    %mul3A_15 = arith.constant 3136 : i32
    %mul3A_16 = arith.muli %arg1, %mul3A_15 : i32
    %add3A_17 = arith.addi %mul3A_4, %mul3A_16 : i32
    "tpu.region"() ({
      %run_scoped3A = tpu.sem_alloc : memref<!tpu.dma_semaphore, #tpu.memory_space<semaphore_mem>>
      %dma_start3A_252 = tpu.memref_slice %arg4[%add3A_17] : memref<100352xi32, #tpu.memory_space<hbm>> -> memref<3136xi32, #tpu.memory_space<hbm>>
      %dma_start3A_253 = tpu.memref_slice %arg4[%add3A_17] : memref<100352xi32, #tpu.memory_space<hbm>> -> memref<3136xi32, #tpu.memory_space<hbm>>
      tpu.enqueue_dma source(%arg7 : memref<3136xi32, #tpu.memory_space<vmem>>) target(%dma_start3A_253 : memref<3136xi32, #tpu.memory_space<hbm>>) target_semaphore(%run_scoped3A : memref<!tpu.dma_semaphore, #tpu.memory_space<semaphore_mem>>)
      %dma_wait3A_254 = tpu.memref_slice %arg4[%add3A_17] : memref<100352xi32, #tpu.memory_space<hbm>> -> memref<3136xi32, #tpu.memory_space<hbm>>
      %dma_wait3A_255 = tpu.memref_slice %arg4[%add3A_17] : memref<100352xi32, #tpu.memory_space<hbm>> -> memref<3136xi32, #tpu.memory_space<hbm>>
      tpu.wait_dma2 semaphore(%run_scoped3A : memref<!tpu.dma_semaphore, #tpu.memory_space<semaphore_mem>>) src(%arg7 : memref<3136xi32, #tpu.memory_space<vmem>>) dst(%dma_wait3A_255 : memref<3136xi32, #tpu.memory_space<hbm>>)
      tpu.yield
    }) : () -> ()
    %add3A_18 = arith.constant 1600000 : i32
    %add3A_19 = arith.addi %add3A_18, %mul3A_2 : i32
    %add3A_20 = arith.constant 0 : i32
    %add3A_21 = arith.addi %add3A_19, %add3A_20 : i32
    %dma_start3A = arith.constant 0 : i32
    %dma_start3A_22 = tpu.memref_slice %arg5[%dma_start3A] : memref<50000xi32, #tpu.memory_space<vmem>> -> memref<5000xi32, #tpu.memory_space<vmem>>
    %dma_start3A_23 = tpu.memref_slice %arg2[%add3A_21] : memref<3200000xi32, #tpu.memory_space<hbm>> -> memref<5000xi32, #tpu.memory_space<hbm>>
    %dma_start3A_24 = arith.constant 0 : i32
    %dma_start3A_25 = tpu.memref_slice %arg5[%dma_start3A_24] : memref<50000xi32, #tpu.memory_space<vmem>> -> memref<5000xi32, #tpu.memory_space<vmem>>
    %dma_start3A_26 = tpu.memref_slice %arg2[%add3A_21] : memref<3200000xi32, #tpu.memory_space<hbm>> -> memref<5000xi32, #tpu.memory_space<hbm>>
    tpu.enqueue_dma source(%dma_start3A_26 : memref<5000xi32, #tpu.memory_space<hbm>>) target(%dma_start3A_25 : memref<5000xi32, #tpu.memory_space<vmem>>) target_semaphore(%arg11 : memref<!tpu.dma_semaphore, #tpu.memory_space<semaphore_mem>>)
    %add3A_27 = arith.constant 1600000 : i32
    %add3A_28 = arith.addi %add3A_27, %mul3A_2 : i32
    %add3A_29 = arith.constant 5000 : i32
    %add3A_30 = arith.addi %add3A_28, %add3A_29 : i32
    %dma_start3A_31 = arith.constant 5000 : i32
    %dma_start3A_32 = tpu.memref_slice %arg5[%dma_start3A_31] : memref<50000xi32, #tpu.memory_space<vmem>> -> memref<5000xi32, #tpu.memory_space<vmem>>
    %dma_start3A_33 = tpu.memref_slice %arg2[%add3A_30] : memref<3200000xi32, #tpu.memory_space<hbm>> -> memref<5000xi32, #tpu.memory_space<hbm>>
    %dma_start3A_34 = arith.constant 5000 : i32
    %dma_start3A_35 = tpu.memref_slice %arg5[%dma_start3A_34] : memref<50000xi32, #tpu.memory_space<vmem>> -> memref<5000xi32, #tpu.memory_space<vmem>>
    %dma_start3A_36 = tpu.memref_slice %arg2[%add3A_30] : memref<3200000xi32, #tpu.memory_space<hbm>> -> memref<5000xi32, #tpu.memory_space<hbm>>
    tpu.enqueue_dma source(%dma_start3A_36 : memref<5000xi32, #tpu.memory_space<hbm>>) target(%dma_start3A_35 : memref<5000xi32, #tpu.memory_space<vmem>>) target_semaphore(%arg11 : memref<!tpu.dma_semaphore, #tpu.memory_space<semaphore_mem>>)
    %add3A_37 = arith.constant 1600000 : i32
    %add3A_38 = arith.addi %add3A_37, %mul3A_2 : i32
    %add3A_39 = arith.constant 10000 : i32
    %add3A_40 = arith.addi %add3A_38, %add3A_39 : i32
    %dma_start3A_41 = arith.constant 10000 : i32
    %dma_start3A_42 = tpu.memref_slice %arg5[%dma_start3A_41] : memref<50000xi32, #tpu.memory_space<vmem>> -> memref<5000xi32, #tpu.memory_space<vmem>>
    %dma_start3A_43 = tpu.memref_slice %arg2[%add3A_40] : memref<3200000xi32, #tpu.memory_space<hbm>> -> memref<5000xi32, #tpu.memory_space<hbm>>
    %dma_start3A_44 = arith.constant 10000 : i32
    %dma_start3A_45 = tpu.memref_slice %arg5[%dma_start3A_44] : memref<50000xi32, #tpu.memory_space<vmem>> -> memref<5000xi32, #tpu.memory_space<vmem>>
    %dma_start3A_46 = tpu.memref_slice %arg2[%add3A_40] : memref<3200000xi32, #tpu.memory_space<hbm>> -> memref<5000xi32, #tpu.memory_space<hbm>>
    tpu.enqueue_dma source(%dma_start3A_46 : memref<5000xi32, #tpu.memory_space<hbm>>) target(%dma_start3A_45 : memref<5000xi32, #tpu.memory_space<vmem>>) target_semaphore(%arg11 : memref<!tpu.dma_semaphore, #tpu.memory_space<semaphore_mem>>)
    %add3A_47 = arith.constant 1600000 : i32
    %add3A_48 = arith.addi %add3A_47, %mul3A_2 : i32
    %add3A_49 = arith.constant 15000 : i32
    %add3A_50 = arith.addi %add3A_48, %add3A_49 : i32
    %dma_start3A_51 = arith.constant 15000 : i32
    %dma_start3A_52 = tpu.memref_slice %arg5[%dma_start3A_51] : memref<50000xi32, #tpu.memory_space<vmem>> -> memref<5000xi32, #tpu.memory_space<vmem>>
    %dma_start3A_53 = tpu.memref_slice %arg2[%add3A_50] : memref<3200000xi32, #tpu.memory_space<hbm>> -> memref<5000xi32, #tpu.memory_space<hbm>>
    %dma_start3A_54 = arith.constant 15000 : i32
    %dma_start3A_55 = tpu.memref_slice %arg5[%dma_start3A_54] : memref<50000xi32, #tpu.memory_space<vmem>> -> memref<5000xi32, #tpu.memory_space<vmem>>
    %dma_start3A_56 = tpu.memref_slice %arg2[%add3A_50] : memref<3200000xi32, #tpu.memory_space<hbm>> -> memref<5000xi32, #tpu.memory_space<hbm>>
    tpu.enqueue_dma source(%dma_start3A_56 : memref<5000xi32, #tpu.memory_space<hbm>>) target(%dma_start3A_55 : memref<5000xi32, #tpu.memory_space<vmem>>) target_semaphore(%arg11 : memref<!tpu.dma_semaphore, #tpu.memory_space<semaphore_mem>>)
    %add3A_57 = arith.constant 1600000 : i32
    %add3A_58 = arith.addi %add3A_57, %mul3A_2 : i32
    %add3A_59 = arith.constant 20000 : i32
    %add3A_60 = arith.addi %add3A_58, %add3A_59 : i32
    %dma_start3A_61 = arith.constant 20000 : i32
    %dma_start3A_62 = tpu.memref_slice %arg5[%dma_start3A_61] : memref<50000xi32, #tpu.memory_space<vmem>> -> memref<5000xi32, #tpu.memory_space<vmem>>
    %dma_start3A_63 = tpu.memref_slice %arg2[%add3A_60] : memref<3200000xi32, #tpu.memory_space<hbm>> -> memref<5000xi32, #tpu.memory_space<hbm>>
    %dma_start3A_64 = arith.constant 20000 : i32
    %dma_start3A_65 = tpu.memref_slice %arg5[%dma_start3A_64] : memref<50000xi32, #tpu.memory_space<vmem>> -> memref<5000xi32, #tpu.memory_space<vmem>>
    %dma_start3A_66 = tpu.memref_slice %arg2[%add3A_60] : memref<3200000xi32, #tpu.memory_space<hbm>> -> memref<5000xi32, #tpu.memory_space<hbm>>
    tpu.enqueue_dma source(%dma_start3A_66 : memref<5000xi32, #tpu.memory_space<hbm>>) target(%dma_start3A_65 : memref<5000xi32, #tpu.memory_space<vmem>>) target_semaphore(%arg11 : memref<!tpu.dma_semaphore, #tpu.memory_space<semaphore_mem>>)
    %add3A_67 = arith.constant 1600000 : i32
    %add3A_68 = arith.addi %add3A_67, %mul3A_2 : i32
    %add3A_69 = arith.constant 25000 : i32
    %add3A_70 = arith.addi %add3A_68, %add3A_69 : i32
    %dma_start3A_71 = arith.constant 25000 : i32
    %dma_start3A_72 = tpu.memref_slice %arg5[%dma_start3A_71] : memref<50000xi32, #tpu.memory_space<vmem>> -> memref<5000xi32, #tpu.memory_space<vmem>>
    %dma_start3A_73 = tpu.memref_slice %arg2[%add3A_70] : memref<3200000xi32, #tpu.memory_space<hbm>> -> memref<5000xi32, #tpu.memory_space<hbm>>
    %dma_start3A_74 = arith.constant 25000 : i32
    %dma_start3A_75 = tpu.memref_slice %arg5[%dma_start3A_74] : memref<50000xi32, #tpu.memory_space<vmem>> -> memref<5000xi32, #tpu.memory_space<vmem>>
    %dma_start3A_76 = tpu.memref_slice %arg2[%add3A_70] : memref<3200000xi32, #tpu.memory_space<hbm>> -> memref<5000xi32, #tpu.memory_space<hbm>>
    tpu.enqueue_dma source(%dma_start3A_76 : memref<5000xi32, #tpu.memory_space<hbm>>) target(%dma_start3A_75 : memref<5000xi32, #tpu.memory_space<vmem>>) target_semaphore(%arg11 : memref<!tpu.dma_semaphore, #tpu.memory_space<semaphore_mem>>)
    %add3A_77 = arith.constant 1600000 : i32
    %add3A_78 = arith.addi %add3A_77, %mul3A_2 : i32
    %add3A_79 = arith.constant 30000 : i32
    %add3A_80 = arith.addi %add3A_78, %add3A_79 : i32
    %dma_start3A_81 = arith.constant 30000 : i32
    %dma_start3A_82 = tpu.memref_slice %arg5[%dma_start3A_81] : memref<50000xi32, #tpu.memory_space<vmem>> -> memref<5000xi32, #tpu.memory_space<vmem>>
    %dma_start3A_83 = tpu.memref_slice %arg2[%add3A_80] : memref<3200000xi32, #tpu.memory_space<hbm>> -> memref<5000xi32, #tpu.memory_space<hbm>>
    %dma_start3A_84 = arith.constant 30000 : i32
    %dma_start3A_85 = tpu.memref_slice %arg5[%dma_start3A_84] : memref<50000xi32, #tpu.memory_space<vmem>> -> memref<5000xi32, #tpu.memory_space<vmem>>
    %dma_start3A_86 = tpu.memref_slice %arg2[%add3A_80] : memref<3200000xi32, #tpu.memory_space<hbm>> -> memref<5000xi32, #tpu.memory_space<hbm>>
    tpu.enqueue_dma source(%dma_start3A_86 : memref<5000xi32, #tpu.memory_space<hbm>>) target(%dma_start3A_85 : memref<5000xi32, #tpu.memory_space<vmem>>) target_semaphore(%arg11 : memref<!tpu.dma_semaphore, #tpu.memory_space<semaphore_mem>>)
    %add3A_87 = arith.constant 1600000 : i32
    %add3A_88 = arith.addi %add3A_87, %mul3A_2 : i32
    %add3A_89 = arith.constant 35000 : i32
    %add3A_90 = arith.addi %add3A_88, %add3A_89 : i32
    %dma_start3A_91 = arith.constant 35000 : i32
    %dma_start3A_92 = tpu.memref_slice %arg5[%dma_start3A_91] : memref<50000xi32, #tpu.memory_space<vmem>> -> memref<5000xi32, #tpu.memory_space<vmem>>
    %dma_start3A_93 = tpu.memref_slice %arg2[%add3A_90] : memref<3200000xi32, #tpu.memory_space<hbm>> -> memref<5000xi32, #tpu.memory_space<hbm>>
    %dma_start3A_94 = arith.constant 35000 : i32
    %dma_start3A_95 = tpu.memref_slice %arg5[%dma_start3A_94] : memref<50000xi32, #tpu.memory_space<vmem>> -> memref<5000xi32, #tpu.memory_space<vmem>>
    %dma_start3A_96 = tpu.memref_slice %arg2[%add3A_90] : memref<3200000xi32, #tpu.memory_space<hbm>> -> memref<5000xi32, #tpu.memory_space<hbm>>
    tpu.enqueue_dma source(%dma_start3A_96 : memref<5000xi32, #tpu.memory_space<hbm>>) target(%dma_start3A_95 : memref<5000xi32, #tpu.memory_space<vmem>>) target_semaphore(%arg11 : memref<!tpu.dma_semaphore, #tpu.memory_space<semaphore_mem>>)
    %add3A_97 = arith.constant 1600000 : i32
    %add3A_98 = arith.addi %add3A_97, %mul3A_2 : i32
    %add3A_99 = arith.constant 40000 : i32
    %add3A_100 = arith.addi %add3A_98, %add3A_99 : i32
    %dma_start3A_101 = arith.constant 40000 : i32
    %dma_start3A_102 = tpu.memref_slice %arg5[%dma_start3A_101] : memref<50000xi32, #tpu.memory_space<vmem>> -> memref<5000xi32, #tpu.memory_space<vmem>>
    %dma_start3A_103 = tpu.memref_slice %arg2[%add3A_100] : memref<3200000xi32, #tpu.memory_space<hbm>> -> memref<5000xi32, #tpu.memory_space<hbm>>
    %dma_start3A_104 = arith.constant 40000 : i32
    %dma_start3A_105 = tpu.memref_slice %arg5[%dma_start3A_104] : memref<50000xi32, #tpu.memory_space<vmem>> -> memref<5000xi32, #tpu.memory_space<vmem>>
    %dma_start3A_106 = tpu.memref_slice %arg2[%add3A_100] : memref<3200000xi32, #tpu.memory_space<hbm>> -> memref<5000xi32, #tpu.memory_space<hbm>>
    tpu.enqueue_dma source(%dma_start3A_106 : memref<5000xi32, #tpu.memory_space<hbm>>) target(%dma_start3A_105 : memref<5000xi32, #tpu.memory_space<vmem>>) target_semaphore(%arg11 : memref<!tpu.dma_semaphore, #tpu.memory_space<semaphore_mem>>)
    %add3A_107 = arith.constant 1600000 : i32
    %add3A_108 = arith.addi %add3A_107, %mul3A_2 : i32
    %add3A_109 = arith.constant 45000 : i32
    %add3A_110 = arith.addi %add3A_108, %add3A_109 : i32
    %dma_start3A_111 = arith.constant 45000 : i32
    %dma_start3A_112 = tpu.memref_slice %arg5[%dma_start3A_111] : memref<50000xi32, #tpu.memory_space<vmem>> -> memref<5000xi32, #tpu.memory_space<vmem>>
    %dma_start3A_113 = tpu.memref_slice %arg2[%add3A_110] : memref<3200000xi32, #tpu.memory_space<hbm>> -> memref<5000xi32, #tpu.memory_space<hbm>>
    %dma_start3A_114 = arith.constant 45000 : i32
    %dma_start3A_115 = tpu.memref_slice %arg5[%dma_start3A_114] : memref<50000xi32, #tpu.memory_space<vmem>> -> memref<5000xi32, #tpu.memory_space<vmem>>
    %dma_start3A_116 = tpu.memref_slice %arg2[%add3A_110] : memref<3200000xi32, #tpu.memory_space<hbm>> -> memref<5000xi32, #tpu.memory_space<hbm>>
    tpu.enqueue_dma source(%dma_start3A_116 : memref<5000xi32, #tpu.memory_space<hbm>>) target(%dma_start3A_115 : memref<5000xi32, #tpu.memory_space<vmem>>) target_semaphore(%arg11 : memref<!tpu.dma_semaphore, #tpu.memory_space<semaphore_mem>>)
    %add3A_117 = arith.constant 1600000 : i32
    %add3A_118 = arith.addi %add3A_117, %mul3A_2 : i32
    %add3A_119 = arith.constant 0 : i32
    %add3A_120 = arith.addi %add3A_118, %add3A_119 : i32
    %dma_wait3A = arith.constant 0 : i32
    %dma_wait3A_121 = tpu.memref_slice %arg5[%dma_wait3A] : memref<50000xi32, #tpu.memory_space<vmem>> -> memref<5000xi32, #tpu.memory_space<vmem>>
    %dma_wait3A_122 = tpu.memref_slice %arg2[%add3A_120] : memref<3200000xi32, #tpu.memory_space<hbm>> -> memref<5000xi32, #tpu.memory_space<hbm>>
    %dma_wait3A_123 = arith.constant 0 : i32
    %dma_wait3A_124 = tpu.memref_slice %arg5[%dma_wait3A_123] : memref<50000xi32, #tpu.memory_space<vmem>> -> memref<5000xi32, #tpu.memory_space<vmem>>
    %dma_wait3A_125 = tpu.memref_slice %arg2[%add3A_120] : memref<3200000xi32, #tpu.memory_space<hbm>> -> memref<5000xi32, #tpu.memory_space<hbm>>
    tpu.wait_dma2 semaphore(%arg11 : memref<!tpu.dma_semaphore, #tpu.memory_space<semaphore_mem>>) src(%dma_wait3A_125 : memref<5000xi32, #tpu.memory_space<hbm>>) dst(%dma_wait3A_124 : memref<5000xi32, #tpu.memory_space<vmem>>)
    %add3A_126 = arith.constant 1600000 : i32
    %add3A_127 = arith.addi %add3A_126, %mul3A_2 : i32
    %add3A_128 = arith.constant 5000 : i32
    %add3A_129 = arith.addi %add3A_127, %add3A_128 : i32
    %dma_wait3A_130 = arith.constant 5000 : i32
    %dma_wait3A_131 = tpu.memref_slice %arg5[%dma_wait3A_130] : memref<50000xi32, #tpu.memory_space<vmem>> -> memref<5000xi32, #tpu.memory_space<vmem>>
    %dma_wait3A_132 = tpu.memref_slice %arg2[%add3A_129] : memref<3200000xi32, #tpu.memory_space<hbm>> -> memref<5000xi32, #tpu.memory_space<hbm>>
    %dma_wait3A_133 = arith.constant 5000 : i32
    %dma_wait3A_134 = tpu.memref_slice %arg5[%dma_wait3A_133] : memref<50000xi32, #tpu.memory_space<vmem>> -> memref<5000xi32, #tpu.memory_space<vmem>>
    %dma_wait3A_135 = tpu.memref_slice %arg2[%add3A_129] : memref<3200000xi32, #tpu.memory_space<hbm>> -> memref<5000xi32, #tpu.memory_space<hbm>>
    tpu.wait_dma2 semaphore(%arg11 : memref<!tpu.dma_semaphore, #tpu.memory_space<semaphore_mem>>) src(%dma_wait3A_135 : memref<5000xi32, #tpu.memory_space<hbm>>) dst(%dma_wait3A_134 : memref<5000xi32, #tpu.memory_space<vmem>>)
    %add3A_136 = arith.constant 1600000 : i32
    %add3A_137 = arith.addi %add3A_136, %mul3A_2 : i32
    %add3A_138 = arith.constant 10000 : i32
    %add3A_139 = arith.addi %add3A_137, %add3A_138 : i32
    %dma_wait3A_140 = arith.constant 10000 : i32
    %dma_wait3A_141 = tpu.memref_slice %arg5[%dma_wait3A_140] : memref<50000xi32, #tpu.memory_space<vmem>> -> memref<5000xi32, #tpu.memory_space<vmem>>
    %dma_wait3A_142 = tpu.memref_slice %arg2[%add3A_139] : memref<3200000xi32, #tpu.memory_space<hbm>> -> memref<5000xi32, #tpu.memory_space<hbm>>
    %dma_wait3A_143 = arith.constant 10000 : i32
    %dma_wait3A_144 = tpu.memref_slice %arg5[%dma_wait3A_143] : memref<50000xi32, #tpu.memory_space<vmem>> -> memref<5000xi32, #tpu.memory_space<vmem>>
    %dma_wait3A_145 = tpu.memref_slice %arg2[%add3A_139] : memref<3200000xi32, #tpu.memory_space<hbm>> -> memref<5000xi32, #tpu.memory_space<hbm>>
    tpu.wait_dma2 semaphore(%arg11 : memref<!tpu.dma_semaphore, #tpu.memory_space<semaphore_mem>>) src(%dma_wait3A_145 : memref<5000xi32, #tpu.memory_space<hbm>>) dst(%dma_wait3A_144 : memref<5000xi32, #tpu.memory_space<vmem>>)
    %add3A_146 = arith.constant 1600000 : i32
    %add3A_147 = arith.addi %add3A_146, %mul3A_2 : i32
    %add3A_148 = arith.constant 15000 : i32
    %add3A_149 = arith.addi %add3A_147, %add3A_148 : i32
    %dma_wait3A_150 = arith.constant 15000 : i32
    %dma_wait3A_151 = tpu.memref_slice %arg5[%dma_wait3A_150] : memref<50000xi32, #tpu.memory_space<vmem>> -> memref<5000xi32, #tpu.memory_space<vmem>>
    %dma_wait3A_152 = tpu.memref_slice %arg2[%add3A_149] : memref<3200000xi32, #tpu.memory_space<hbm>> -> memref<5000xi32, #tpu.memory_space<hbm>>
    %dma_wait3A_153 = arith.constant 15000 : i32
    %dma_wait3A_154 = tpu.memref_slice %arg5[%dma_wait3A_153] : memref<50000xi32, #tpu.memory_space<vmem>> -> memref<5000xi32, #tpu.memory_space<vmem>>
    %dma_wait3A_155 = tpu.memref_slice %arg2[%add3A_149] : memref<3200000xi32, #tpu.memory_space<hbm>> -> memref<5000xi32, #tpu.memory_space<hbm>>
    tpu.wait_dma2 semaphore(%arg11 : memref<!tpu.dma_semaphore, #tpu.memory_space<semaphore_mem>>) src(%dma_wait3A_155 : memref<5000xi32, #tpu.memory_space<hbm>>) dst(%dma_wait3A_154 : memref<5000xi32, #tpu.memory_space<vmem>>)
    %add3A_156 = arith.constant 1600000 : i32
    %add3A_157 = arith.addi %add3A_156, %mul3A_2 : i32
    %add3A_158 = arith.constant 20000 : i32
    %add3A_159 = arith.addi %add3A_157, %add3A_158 : i32
    %dma_wait3A_160 = arith.constant 20000 : i32
    %dma_wait3A_161 = tpu.memref_slice %arg5[%dma_wait3A_160] : memref<50000xi32, #tpu.memory_space<vmem>> -> memref<5000xi32, #tpu.memory_space<vmem>>
    %dma_wait3A_162 = tpu.memref_slice %arg2[%add3A_159] : memref<3200000xi32, #tpu.memory_space<hbm>> -> memref<5000xi32, #tpu.memory_space<hbm>>
    %dma_wait3A_163 = arith.constant 20000 : i32
    %dma_wait3A_164 = tpu.memref_slice %arg5[%dma_wait3A_163] : memref<50000xi32, #tpu.memory_space<vmem>> -> memref<5000xi32, #tpu.memory_space<vmem>>
    %dma_wait3A_165 = tpu.memref_slice %arg2[%add3A_159] : memref<3200000xi32, #tpu.memory_space<hbm>> -> memref<5000xi32, #tpu.memory_space<hbm>>
    tpu.wait_dma2 semaphore(%arg11 : memref<!tpu.dma_semaphore, #tpu.memory_space<semaphore_mem>>) src(%dma_wait3A_165 : memref<5000xi32, #tpu.memory_space<hbm>>) dst(%dma_wait3A_164 : memref<5000xi32, #tpu.memory_space<vmem>>)
    %add3A_166 = arith.constant 1600000 : i32
    %add3A_167 = arith.addi %add3A_166, %mul3A_2 : i32
    %add3A_168 = arith.constant 25000 : i32
    %add3A_169 = arith.addi %add3A_167, %add3A_168 : i32
    %dma_wait3A_170 = arith.constant 25000 : i32
    %dma_wait3A_171 = tpu.memref_slice %arg5[%dma_wait3A_170] : memref<50000xi32, #tpu.memory_space<vmem>> -> memref<5000xi32, #tpu.memory_space<vmem>>
    %dma_wait3A_172 = tpu.memref_slice %arg2[%add3A_169] : memref<3200000xi32, #tpu.memory_space<hbm>> -> memref<5000xi32, #tpu.memory_space<hbm>>
    %dma_wait3A_173 = arith.constant 25000 : i32
    %dma_wait3A_174 = tpu.memref_slice %arg5[%dma_wait3A_173] : memref<50000xi32, #tpu.memory_space<vmem>> -> memref<5000xi32, #tpu.memory_space<vmem>>
    %dma_wait3A_175 = tpu.memref_slice %arg2[%add3A_169] : memref<3200000xi32, #tpu.memory_space<hbm>> -> memref<5000xi32, #tpu.memory_space<hbm>>
    tpu.wait_dma2 semaphore(%arg11 : memref<!tpu.dma_semaphore, #tpu.memory_space<semaphore_mem>>) src(%dma_wait3A_175 : memref<5000xi32, #tpu.memory_space<hbm>>) dst(%dma_wait3A_174 : memref<5000xi32, #tpu.memory_space<vmem>>)
    %add3A_176 = arith.constant 1600000 : i32
    %add3A_177 = arith.addi %add3A_176, %mul3A_2 : i32
    %add3A_178 = arith.constant 30000 : i32
    %add3A_179 = arith.addi %add3A_177, %add3A_178 : i32
    %dma_wait3A_180 = arith.constant 30000 : i32
    %dma_wait3A_181 = tpu.memref_slice %arg5[%dma_wait3A_180] : memref<50000xi32, #tpu.memory_space<vmem>> -> memref<5000xi32, #tpu.memory_space<vmem>>
    %dma_wait3A_182 = tpu.memref_slice %arg2[%add3A_179] : memref<3200000xi32, #tpu.memory_space<hbm>> -> memref<5000xi32, #tpu.memory_space<hbm>>
    %dma_wait3A_183 = arith.constant 30000 : i32
    %dma_wait3A_184 = tpu.memref_slice %arg5[%dma_wait3A_183] : memref<50000xi32, #tpu.memory_space<vmem>> -> memref<5000xi32, #tpu.memory_space<vmem>>
    %dma_wait3A_185 = tpu.memref_slice %arg2[%add3A_179] : memref<3200000xi32, #tpu.memory_space<hbm>> -> memref<5000xi32, #tpu.memory_space<hbm>>
    tpu.wait_dma2 semaphore(%arg11 : memref<!tpu.dma_semaphore, #tpu.memory_space<semaphore_mem>>) src(%dma_wait3A_185 : memref<5000xi32, #tpu.memory_space<hbm>>) dst(%dma_wait3A_184 : memref<5000xi32, #tpu.memory_space<vmem>>)
    %add3A_186 = arith.constant 1600000 : i32
    %add3A_187 = arith.addi %add3A_186, %mul3A_2 : i32
    %add3A_188 = arith.constant 35000 : i32
    %add3A_189 = arith.addi %add3A_187, %add3A_188 : i32
    %dma_wait3A_190 = arith.constant 35000 : i32
    %dma_wait3A_191 = tpu.memref_slice %arg5[%dma_wait3A_190] : memref<50000xi32, #tpu.memory_space<vmem>> -> memref<5000xi32, #tpu.memory_space<vmem>>
    %dma_wait3A_192 = tpu.memref_slice %arg2[%add3A_189] : memref<3200000xi32, #tpu.memory_space<hbm>> -> memref<5000xi32, #tpu.memory_space<hbm>>
    %dma_wait3A_193 = arith.constant 35000 : i32
    %dma_wait3A_194 = tpu.memref_slice %arg5[%dma_wait3A_193] : memref<50000xi32, #tpu.memory_space<vmem>> -> memref<5000xi32, #tpu.memory_space<vmem>>
    %dma_wait3A_195 = tpu.memref_slice %arg2[%add3A_189] : memref<3200000xi32, #tpu.memory_space<hbm>> -> memref<5000xi32, #tpu.memory_space<hbm>>
    tpu.wait_dma2 semaphore(%arg11 : memref<!tpu.dma_semaphore, #tpu.memory_space<semaphore_mem>>) src(%dma_wait3A_195 : memref<5000xi32, #tpu.memory_space<hbm>>) dst(%dma_wait3A_194 : memref<5000xi32, #tpu.memory_space<vmem>>)
    %add3A_196 = arith.constant 1600000 : i32
    %add3A_197 = arith.addi %add3A_196, %mul3A_2 : i32
    %add3A_198 = arith.constant 40000 : i32
    %add3A_199 = arith.addi %add3A_197, %add3A_198 : i32
    %dma_wait3A_200 = arith.constant 40000 : i32
    %dma_wait3A_201 = tpu.memref_slice %arg5[%dma_wait3A_200] : memref<50000xi32, #tpu.memory_space<vmem>> -> memref<5000xi32, #tpu.memory_space<vmem>>
    %dma_wait3A_202 = tpu.memref_slice %arg2[%add3A_199] : memref<3200000xi32, #tpu.memory_space<hbm>> -> memref<5000xi32, #tpu.memory_space<hbm>>
    %dma_wait3A_203 = arith.constant 40000 : i32
    %dma_wait3A_204 = tpu.memref_slice %arg5[%dma_wait3A_203] : memref<50000xi32, #tpu.memory_space<vmem>> -> memref<5000xi32, #tpu.memory_space<vmem>>
    %dma_wait3A_205 = tpu.memref_slice %arg2[%add3A_199] : memref<3200000xi32, #tpu.memory_space<hbm>> -> memref<5000xi32, #tpu.memory_space<hbm>>
    tpu.wait_dma2 semaphore(%arg11 : memref<!tpu.dma_semaphore, #tpu.memory_space<semaphore_mem>>) src(%dma_wait3A_205 : memref<5000xi32, #tpu.memory_space<hbm>>) dst(%dma_wait3A_204 : memref<5000xi32, #tpu.memory_space<vmem>>)
    %add3A_206 = arith.constant 1600000 : i32
    %add3A_207 = arith.addi %add3A_206, %mul3A_2 : i32
    %add3A_208 = arith.constant 45000 : i32
    %add3A_209 = arith.addi %add3A_207, %add3A_208 : i32
    %dma_wait3A_210 = arith.constant 45000 : i32
    %dma_wait3A_211 = tpu.memref_slice %arg5[%dma_wait3A_210] : memref<50000xi32, #tpu.memory_space<vmem>> -> memref<5000xi32, #tpu.memory_space<vmem>>
    %dma_wait3A_212 = tpu.memref_slice %arg2[%add3A_209] : memref<3200000xi32, #tpu.memory_space<hbm>> -> memref<5000xi32, #tpu.memory_space<hbm>>
    %dma_wait3A_213 = arith.constant 45000 : i32
    %dma_wait3A_214 = tpu.memref_slice %arg5[%dma_wait3A_213] : memref<50000xi32, #tpu.memory_space<vmem>> -> memref<5000xi32, #tpu.memory_space<vmem>>
    %dma_wait3A_215 = tpu.memref_slice %arg2[%add3A_209] : memref<3200000xi32, #tpu.memory_space<hbm>> -> memref<5000xi32, #tpu.memory_space<hbm>>
    tpu.wait_dma2 semaphore(%arg11 : memref<!tpu.dma_semaphore, #tpu.memory_space<semaphore_mem>>) src(%dma_wait3A_215 : memref<5000xi32, #tpu.memory_space<hbm>>) dst(%dma_wait3A_214 : memref<5000xi32, #tpu.memory_space<vmem>>)
    %barrier3A = arith.constant 0 : index
    tpu.barrier barrier_id(%barrier3A)
    %scan3A_216 = arith.constant 0 : i32
    %scan3A_217 = arith.constant 0 : i32
    %scan3A_218 = arith.constant 125 : i32
    %scan3A_219 = arith.addi %scan3A_217, %scan3A_218 : i32
    %scan3A_220 = arith.constant 1 : i32
    %scan3A_221 = scf.for %scan3A_252 = %scan3A_217 to %scan3A_219 step %scan3A_220 iter_args(%scan3A_253 = %scan3A_216) -> (i32)  : i32 {
      %mul3A_254 = arith.constant 25 : i32
      %mul3A_255 = arith.muli %scan3A_252, %mul3A_254 : i32
      %add3A_256 = arith.constant 0 : i32
      %add3A_257 = arith.addi %mul3A_255, %add3A_256 : i32
      %mul3A_258 = arith.constant 16 : i32
      %mul3A_259 = arith.muli %add3A_257, %mul3A_258 : i32
      %get3A_260 = arith.index_cast %mul3A_259 : i32 to index
      %get3A_261 = tpu.vector_load %arg5[%get3A_260] {strides = array<i32>} : memref<50000xi32, #tpu.memory_space<vmem>>, vector<16xi32>,
      %eq3A_262 = arith.cmpi eq, %get3A_261, %get3A_5 : vector<16xi32>
      %add3A_263 = arith.constant 1 : i32
      %add3A_264 = arith.addi %mul3A_255, %add3A_263 : i32
      %mul3A_265 = arith.constant 16 : i32
      %mul3A_266 = arith.muli %add3A_264, %mul3A_265 : i32
      %get3A_267 = arith.index_cast %mul3A_266 : i32 to index
      %get3A_268 = tpu.vector_load %arg5[%get3A_267] {strides = array<i32>} : memref<50000xi32, #tpu.memory_space<vmem>>, vector<16xi32>,
      %eq3A_269 = arith.cmpi eq, %get3A_268, %get3A_5 : vector<16xi32>
      %or3A = arith.ori %eq3A_262, %eq3A_269 : vector<16xi1>
      %add3A_270 = arith.constant 2 : i32
      %add3A_271 = arith.addi %mul3A_255, %add3A_270 : i32
      %mul3A_272 = arith.constant 16 : i32
      %mul3A_273 = arith.muli %add3A_271, %mul3A_272 : i32
      %get3A_274 = arith.index_cast %mul3A_273 : i32 to index
      %get3A_275 = tpu.vector_load %arg5[%get3A_274] {strides = array<i32>} : memref<50000xi32, #tpu.memory_space<vmem>>, vector<16xi32>,
      %eq3A_276 = arith.cmpi eq, %get3A_275, %get3A_5 : vector<16xi32>
      %or3A_277 = arith.ori %or3A, %eq3A_276 : vector<16xi1>
      %add3A_278 = arith.constant 3 : i32
      %add3A_279 = arith.addi %mul3A_255, %add3A_278 : i32
      %mul3A_280 = arith.constant 16 : i32
      %mul3A_281 = arith.muli %add3A_279, %mul3A_280 : i32
      %get3A_282 = arith.index_cast %mul3A_281 : i32 to index
      %get3A_283 = tpu.vector_load %arg5[%get3A_282] {strides = array<i32>} : memref<50000xi32, #tpu.memory_space<vmem>>, vector<16xi32>,
      %eq3A_284 = arith.cmpi eq, %get3A_283, %get3A_5 : vector<16xi32>
      %or3A_285 = arith.ori %or3A_277, %eq3A_284 : vector<16xi1>
      %add3A_286 = arith.constant 4 : i32
      %add3A_287 = arith.addi %mul3A_255, %add3A_286 : i32
      %mul3A_288 = arith.constant 16 : i32
      %mul3A_289 = arith.muli %add3A_287, %mul3A_288 : i32
      %get3A_290 = arith.index_cast %mul3A_289 : i32 to index
      %get3A_291 = tpu.vector_load %arg5[%get3A_290] {strides = array<i32>} : memref<50000xi32, #tpu.memory_space<vmem>>, vector<16xi32>,
      %eq3A_292 = arith.cmpi eq, %get3A_291, %get3A_5 : vector<16xi32>
      %or3A_293 = arith.ori %or3A_285, %eq3A_292 : vector<16xi1>
      %add3A_294 = arith.constant 5 : i32
      %add3A_295 = arith.addi %mul3A_255, %add3A_294 : i32
      %mul3A_296 = arith.constant 16 : i32
      %mul3A_297 = arith.muli %add3A_295, %mul3A_296 : i32
      %get3A_298 = arith.index_cast %mul3A_297 : i32 to index
      %get3A_299 = tpu.vector_load %arg5[%get3A_298] {strides = array<i32>} : memref<50000xi32, #tpu.memory_space<vmem>>, vector<16xi32>,
      %eq3A_300 = arith.cmpi eq, %get3A_299, %get3A_5 : vector<16xi32>
      %or3A_301 = arith.ori %or3A_293, %eq3A_300 : vector<16xi1>
      %add3A_302 = arith.constant 6 : i32
      %add3A_303 = arith.addi %mul3A_255, %add3A_302 : i32
      %mul3A_304 = arith.constant 16 : i32
      %mul3A_305 = arith.muli %add3A_303, %mul3A_304 : i32
      %get3A_306 = arith.index_cast %mul3A_305 : i32 to index
      %get3A_307 = tpu.vector_load %arg5[%get3A_306] {strides = array<i32>} : memref<50000xi32, #tpu.memory_space<vmem>>, vector<16xi32>,
      %eq3A_308 = arith.cmpi eq, %get3A_307, %get3A_5 : vector<16xi32>
      %or3A_309 = arith.ori %or3A_301, %eq3A_308 : vector<16xi1>
      %add3A_310 = arith.constant 7 : i32
      %add3A_311 = arith.addi %mul3A_255, %add3A_310 : i32
      %mul3A_312 = arith.constant 16 : i32
      %mul3A_313 = arith.muli %add3A_311, %mul3A_312 : i32
      %get3A_314 = arith.index_cast %mul3A_313 : i32 to index
      %get3A_315 = tpu.vector_load %arg5[%get3A_314] {strides = array<i32>} : memref<50000xi32, #tpu.memory_space<vmem>>, vector<16xi32>,
      %eq3A_316 = arith.cmpi eq, %get3A_315, %get3A_5 : vector<16xi32>
      %or3A_317 = arith.ori %or3A_309, %eq3A_316 : vector<16xi1>
      %add3A_318 = arith.constant 8 : i32
      %add3A_319 = arith.addi %mul3A_255, %add3A_318 : i32
      %mul3A_320 = arith.constant 16 : i32
      %mul3A_321 = arith.muli %add3A_319, %mul3A_320 : i32
      %get3A_322 = arith.index_cast %mul3A_321 : i32 to index
      %get3A_323 = tpu.vector_load %arg5[%get3A_322] {strides = array<i32>} : memref<50000xi32, #tpu.memory_space<vmem>>, vector<16xi32>,
      %eq3A_324 = arith.cmpi eq, %get3A_323, %get3A_5 : vector<16xi32>
      %or3A_325 = arith.ori %or3A_317, %eq3A_324 : vector<16xi1>
      %add3A_326 = arith.constant 9 : i32
      %add3A_327 = arith.addi %mul3A_255, %add3A_326 : i32
      %mul3A_328 = arith.constant 16 : i32
      %mul3A_329 = arith.muli %add3A_327, %mul3A_328 : i32
      %get3A_330 = arith.index_cast %mul3A_329 : i32 to index
      %get3A_331 = tpu.vector_load %arg5[%get3A_330] {strides = array<i32>} : memref<50000xi32, #tpu.memory_space<vmem>>, vector<16xi32>,
      %eq3A_332 = arith.cmpi eq, %get3A_331, %get3A_5 : vector<16xi32>
      %or3A_333 = arith.ori %or3A_325, %eq3A_332 : vector<16xi1>
      %add3A_334 = arith.constant 10 : i32
      %add3A_335 = arith.addi %mul3A_255, %add3A_334 : i32
      %mul3A_336 = arith.constant 16 : i32
      %mul3A_337 = arith.muli %add3A_335, %mul3A_336 : i32
      %get3A_338 = arith.index_cast %mul3A_337 : i32 to index
      %get3A_339 = tpu.vector_load %arg5[%get3A_338] {strides = array<i32>} : memref<50000xi32, #tpu.memory_space<vmem>>, vector<16xi32>,
      %eq3A_340 = arith.cmpi eq, %get3A_339, %get3A_5 : vector<16xi32>
      %or3A_341 = arith.ori %or3A_333, %eq3A_340 : vector<16xi1>
      %add3A_342 = arith.constant 11 : i32
      %add3A_343 = arith.addi %mul3A_255, %add3A_342 : i32
      %mul3A_344 = arith.constant 16 : i32
      %mul3A_345 = arith.muli %add3A_343, %mul3A_344 : i32
      %get3A_346 = arith.index_cast %mul3A_345 : i32 to index
      %get3A_347 = tpu.vector_load %arg5[%get3A_346] {strides = array<i32>} : memref<50000xi32, #tpu.memory_space<vmem>>, vector<16xi32>,
      %eq3A_348 = arith.cmpi eq, %get3A_347, %get3A_5 : vector<16xi32>
      %or3A_349 = arith.ori %or3A_341, %eq3A_348 : vector<16xi1>
      %add3A_350 = arith.constant 12 : i32
      %add3A_351 = arith.addi %mul3A_255, %add3A_350 : i32
      %mul3A_352 = arith.constant 16 : i32
      %mul3A_353 = arith.muli %add3A_351, %mul3A_352 : i32
      %get3A_354 = arith.index_cast %mul3A_353 : i32 to index
      %get3A_355 = tpu.vector_load %arg5[%get3A_354] {strides = array<i32>} : memref<50000xi32, #tpu.memory_space<vmem>>, vector<16xi32>,
      %eq3A_356 = arith.cmpi eq, %get3A_355, %get3A_5 : vector<16xi32>
      %or3A_357 = arith.ori %or3A_349, %eq3A_356 : vector<16xi1>
      %add3A_358 = arith.constant 13 : i32
      %add3A_359 = arith.addi %mul3A_255, %add3A_358 : i32
      %mul3A_360 = arith.constant 16 : i32
      %mul3A_361 = arith.muli %add3A_359, %mul3A_360 : i32
      %get3A_362 = arith.index_cast %mul3A_361 : i32 to index
      %get3A_363 = tpu.vector_load %arg5[%get3A_362] {strides = array<i32>} : memref<50000xi32, #tpu.memory_space<vmem>>, vector<16xi32>,
      %eq3A_364 = arith.cmpi eq, %get3A_363, %get3A_5 : vector<16xi32>
      %or3A_365 = arith.ori %or3A_357, %eq3A_364 : vector<16xi1>
      %add3A_366 = arith.constant 14 : i32
      %add3A_367 = arith.addi %mul3A_255, %add3A_366 : i32
      %mul3A_368 = arith.constant 16 : i32
      %mul3A_369 = arith.muli %add3A_367, %mul3A_368 : i32
      %get3A_370 = arith.index_cast %mul3A_369 : i32 to index
      %get3A_371 = tpu.vector_load %arg5[%get3A_370] {strides = array<i32>} : memref<50000xi32, #tpu.memory_space<vmem>>, vector<16xi32>,
      %eq3A_372 = arith.cmpi eq, %get3A_371, %get3A_5 : vector<16xi32>
      %or3A_373 = arith.ori %or3A_365, %eq3A_372 : vector<16xi1>
      %add3A_374 = arith.constant 15 : i32
      %add3A_375 = arith.addi %mul3A_255, %add3A_374 : i32
      %mul3A_376 = arith.constant 16 : i32
      %mul3A_377 = arith.muli %add3A_375, %mul3A_376 : i32
      %get3A_378 = arith.index_cast %mul3A_377 : i32 to index
      %get3A_379 = tpu.vector_load %arg5[%get3A_378] {strides = array<i32>} : memref<50000xi32, #tpu.memory_space<vmem>>, vector<16xi32>,
      %eq3A_380 = arith.cmpi eq, %get3A_379, %get3A_5 : vector<16xi32>
      %or3A_381 = arith.ori %or3A_373, %eq3A_380 : vector<16xi1>
      %add3A_382 = arith.constant 16 : i32
      %add3A_383 = arith.addi %mul3A_255, %add3A_382 : i32
      %mul3A_384 = arith.constant 16 : i32
      %mul3A_385 = arith.muli %add3A_383, %mul3A_384 : i32
      %get3A_386 = arith.index_cast %mul3A_385 : i32 to index
      %get3A_387 = tpu.vector_load %arg5[%get3A_386] {strides = array<i32>} : memref<50000xi32, #tpu.memory_space<vmem>>, vector<16xi32>,
      %eq3A_388 = arith.cmpi eq, %get3A_387, %get3A_5 : vector<16xi32>
      %or3A_389 = arith.ori %or3A_381, %eq3A_388 : vector<16xi1>
      %add3A_390 = arith.constant 17 : i32
      %add3A_391 = arith.addi %mul3A_255, %add3A_390 : i32
      %mul3A_392 = arith.constant 16 : i32
      %mul3A_393 = arith.muli %add3A_391, %mul3A_392 : i32
      %get3A_394 = arith.index_cast %mul3A_393 : i32 to index
      %get3A_395 = tpu.vector_load %arg5[%get3A_394] {strides = array<i32>} : memref<50000xi32, #tpu.memory_space<vmem>>, vector<16xi32>,
      %eq3A_396 = arith.cmpi eq, %get3A_395, %get3A_5 : vector<16xi32>
      %or3A_397 = arith.ori %or3A_389, %eq3A_396 : vector<16xi1>
      %add3A_398 = arith.constant 18 : i32
      %add3A_399 = arith.addi %mul3A_255, %add3A_398 : i32
      %mul3A_400 = arith.constant 16 : i32
      %mul3A_401 = arith.muli %add3A_399, %mul3A_400 : i32
      %get3A_402 = arith.index_cast %mul3A_401 : i32 to index
      %get3A_403 = tpu.vector_load %arg5[%get3A_402] {strides = array<i32>} : memref<50000xi32, #tpu.memory_space<vmem>>, vector<16xi32>,
      %eq3A_404 = arith.cmpi eq, %get3A_403, %get3A_5 : vector<16xi32>
      %or3A_405 = arith.ori %or3A_397, %eq3A_404 : vector<16xi1>
      %add3A_406 = arith.constant 19 : i32
      %add3A_407 = arith.addi %mul3A_255, %add3A_406 : i32
      %mul3A_408 = arith.constant 16 : i32
      %mul3A_409 = arith.muli %add3A_407, %mul3A_408 : i32
      %get3A_410 = arith.index_cast %mul3A_409 : i32 to index
      %get3A_411 = tpu.vector_load %arg5[%get3A_410] {strides = array<i32>} : memref<50000xi32, #tpu.memory_space<vmem>>, vector<16xi32>,
      %eq3A_412 = arith.cmpi eq, %get3A_411, %get3A_5 : vector<16xi32>
      %or3A_413 = arith.ori %or3A_405, %eq3A_412 : vector<16xi1>
      %add3A_414 = arith.constant 20 : i32
      %add3A_415 = arith.addi %mul3A_255, %add3A_414 : i32
      %mul3A_416 = arith.constant 16 : i32
      %mul3A_417 = arith.muli %add3A_415, %mul3A_416 : i32
      %get3A_418 = arith.index_cast %mul3A_417 : i32 to index
      %get3A_419 = tpu.vector_load %arg5[%get3A_418] {strides = array<i32>} : memref<50000xi32, #tpu.memory_space<vmem>>, vector<16xi32>,
      %eq3A_420 = arith.cmpi eq, %get3A_419, %get3A_5 : vector<16xi32>
      %or3A_421 = arith.ori %or3A_413, %eq3A_420 : vector<16xi1>
      %add3A_422 = arith.constant 21 : i32
      %add3A_423 = arith.addi %mul3A_255, %add3A_422 : i32
      %mul3A_424 = arith.constant 16 : i32
      %mul3A_425 = arith.muli %add3A_423, %mul3A_424 : i32
      %get3A_426 = arith.index_cast %mul3A_425 : i32 to index
      %get3A_427 = tpu.vector_load %arg5[%get3A_426] {strides = array<i32>} : memref<50000xi32, #tpu.memory_space<vmem>>, vector<16xi32>,
      %eq3A_428 = arith.cmpi eq, %get3A_427, %get3A_5 : vector<16xi32>
      %or3A_429 = arith.ori %or3A_421, %eq3A_428 : vector<16xi1>
      %add3A_430 = arith.constant 22 : i32
      %add3A_431 = arith.addi %mul3A_255, %add3A_430 : i32
      %mul3A_432 = arith.constant 16 : i32
      %mul3A_433 = arith.muli %add3A_431, %mul3A_432 : i32
      %get3A_434 = arith.index_cast %mul3A_433 : i32 to index
      %get3A_435 = tpu.vector_load %arg5[%get3A_434] {strides = array<i32>} : memref<50000xi32, #tpu.memory_space<vmem>>, vector<16xi32>,
      %eq3A_436 = arith.cmpi eq, %get3A_435, %get3A_5 : vector<16xi32>
      %or3A_437 = arith.ori %or3A_429, %eq3A_436 : vector<16xi1>
      %add3A_438 = arith.constant 23 : i32
      %add3A_439 = arith.addi %mul3A_255, %add3A_438 : i32
      %mul3A_440 = arith.constant 16 : i32
      %mul3A_441 = arith.muli %add3A_439, %mul3A_440 : i32
      %get3A_442 = arith.index_cast %mul3A_441 : i32 to index
      %get3A_443 = tpu.vector_load %arg5[%get3A_442] {strides = array<i32>} : memref<50000xi32, #tpu.memory_space<vmem>>, vector<16xi32>,
      %eq3A_444 = arith.cmpi eq, %get3A_443, %get3A_5 : vector<16xi32>
      %or3A_445 = arith.ori %or3A_437, %eq3A_444 : vector<16xi1>
      %add3A_446 = arith.constant 24 : i32
      %add3A_447 = arith.addi %mul3A_255, %add3A_446 : i32
      %mul3A_448 = arith.constant 16 : i32
      %mul3A_449 = arith.muli %add3A_447, %mul3A_448 : i32
      %get3A_450 = arith.index_cast %mul3A_449 : i32 to index
      %get3A_451 = tpu.vector_load %arg5[%get3A_450] {strides = array<i32>} : memref<50000xi32, #tpu.memory_space<vmem>>, vector<16xi32>,
      %eq3A_452 = arith.cmpi eq, %get3A_451, %get3A_5 : vector<16xi32>
      %or3A_453 = arith.ori %or3A_445, %eq3A_452 : vector<16xi1>
      %reduce_or3A = arith.constant 1.000000e+00 : f32
      %reduce_or3A_454 = arith.constant 0.000000e+00 : f32
      %reduce_or3A_455 = vector.broadcast %reduce_or3A : f32 to vector<16xf32>
      %reduce_or3A_456 = vector.broadcast %reduce_or3A_454 : f32 to vector<16xf32>
      %reduce_or3A_457 = arith.select %or3A_453, %reduce_or3A_455, %reduce_or3A_456 : vector<16xi1>, vector<16xf32>
      %reduce_or3A_458 = arith.constant true
      %reduce_or3A_459 = vector.broadcast %reduce_or3A_458 : i1 to vector<16xi1>
      %reduce_or3A_460 = tpu.scan <max>, %reduce_or3A_457 masked %reduce_or3A_459 : vector<16xf32>, vector<16xi1> -> vector<16xf32>
      %reduce_or3A_461 = vector.extract %reduce_or3A_460[15] : f32 from vector<16xf32>
      %reduce_or3A_462 = arith.constant 0.000000e+00 : f32
      %reduce_or3A_463 = arith.cmpf ogt, %reduce_or3A_461, %reduce_or3A_462 : f32
      %convert_element_type3A_464 = arith.extui %reduce_or3A_463 : i1 to i32
      %cond3A_465 = arith.constant 0 : i32
      %cond3A_466 = arith.cmpi ne, %convert_element_type3A_464, %cond3A_465 : i32
      %cond3A_467 = scf.if %cond3A_466 -> (i32) {
        %add3A_468 = arith.constant 0 : i32
        %add3A_469 = arith.addi %mul3A_255, %add3A_468 : i32
        %mul3A_470 = arith.constant 16 : i32
        %mul3A_471 = arith.muli %add3A_469, %mul3A_470 : i32
        %get3A_472 = arith.index_cast %mul3A_471 : i32 to index
        %get3A_473 = tpu.vector_load %arg5[%get3A_472] {strides = array<i32>} : memref<50000xi32, #tpu.memory_space<vmem>>, vector<16xi32>,
        %eq3A_474 = arith.cmpi eq, %get3A_473, %get3A_5 : vector<16xi32>
        %mul3A_475 = arith.constant 16 : i32
        %mul3A_476 = arith.muli %add3A_469, %mul3A_475 : i32
        %add3A_477 = vector.broadcast %mul3A_476 : i32 to vector<16xi32>
        %add3A_478 = arith.addi %add3A_477, %iota3A : vector<16xi32>
        %swap3A_479 = arith.index_cast %scan3A_253 : i32 to index
        %swap3A_480 = tpu.vector_load %arg6[%swap3A_479] masked %eq3A_474 {strides = array<i32>} : memref<50016xi32, #tpu.memory_space<vmem>>, vector<16xi32>, vector<16xi1>
        tpu.vector_store %arg6[%swap3A_479], %add3A_478 masked %eq3A_474 {strides = array<i32>} : memref<50016xi32, #tpu.memory_space<vmem>>, vector<16xi32>, vector<16xi1>
        %convert_element_type3A_481 = arith.extui %eq3A_474 : vector<16xi1> to vector<16xi32>
        %reduce_sum3A = arith.constant true
        %reduce_sum3A_482 = vector.broadcast %reduce_sum3A : i1 to vector<16xi1>
        %reduce_sum3A_483 = tpu.scan <sum>, %convert_element_type3A_481 masked %reduce_sum3A_482 : vector<16xi32>, vector<16xi1> -> vector<16xi32>
        %reduce_sum3A_484 = vector.extract %reduce_sum3A_483[15] : i32 from vector<16xi32>
        %add3A_485 = arith.addi %scan3A_253, %reduce_sum3A_484 : i32
        %add3A_486 = arith.constant 1 : i32
        %add3A_487 = arith.addi %mul3A_255, %add3A_486 : i32
        %mul3A_488 = arith.constant 16 : i32
        %mul3A_489 = arith.muli %add3A_487, %mul3A_488 : i32
        %get3A_490 = arith.index_cast %mul3A_489 : i32 to index
        %get3A_491 = tpu.vector_load %arg5[%get3A_490] {strides = array<i32>} : memref<50000xi32, #tpu.memory_space<vmem>>, vector<16xi32>,
        %eq3A_492 = arith.cmpi eq, %get3A_491, %get3A_5 : vector<16xi32>
        %mul3A_493 = arith.constant 16 : i32
        %mul3A_494 = arith.muli %add3A_487, %mul3A_493 : i32
        %add3A_495 = vector.broadcast %mul3A_494 : i32 to vector<16xi32>
        %add3A_496 = arith.addi %add3A_495, %iota3A : vector<16xi32>
        %swap3A_497 = arith.index_cast %add3A_485 : i32 to index
        %swap3A_498 = tpu.vector_load %arg6[%swap3A_497] masked %eq3A_492 {strides = array<i32>} : memref<50016xi32, #tpu.memory_space<vmem>>, vector<16xi32>, vector<16xi1>
        tpu.vector_store %arg6[%swap3A_497], %add3A_496 masked %eq3A_492 {strides = array<i32>} : memref<50016xi32, #tpu.memory_space<vmem>>, vector<16xi32>, vector<16xi1>
        %convert_element_type3A_499 = arith.extui %eq3A_492 : vector<16xi1> to vector<16xi32>
        %reduce_sum3A_500 = arith.constant true
        %reduce_sum3A_501 = vector.broadcast %reduce_sum3A_500 : i1 to vector<16xi1>
        %reduce_sum3A_502 = tpu.scan <sum>, %convert_element_type3A_499 masked %reduce_sum3A_501 : vector<16xi32>, vector<16xi1> -> vector<16xi32>
        %reduce_sum3A_503 = vector.extract %reduce_sum3A_502[15] : i32 from vector<16xi32>
        %add3A_504 = arith.addi %add3A_485, %reduce_sum3A_503 : i32
        %add3A_505 = arith.constant 2 : i32
        %add3A_506 = arith.addi %mul3A_255, %add3A_505 : i32
        %mul3A_507 = arith.constant 16 : i32
        %mul3A_508 = arith.muli %add3A_506, %mul3A_507 : i32
        %get3A_509 = arith.index_cast %mul3A_508 : i32 to index
        %get3A_510 = tpu.vector_load %arg5[%get3A_509] {strides = array<i32>} : memref<50000xi32, #tpu.memory_space<vmem>>, vector<16xi32>,
        %eq3A_511 = arith.cmpi eq, %get3A_510, %get3A_5 : vector<16xi32>
        %mul3A_512 = arith.constant 16 : i32
        %mul3A_513 = arith.muli %add3A_506, %mul3A_512 : i32
        %add3A_514 = vector.broadcast %mul3A_513 : i32 to vector<16xi32>
        %add3A_515 = arith.addi %add3A_514, %iota3A : vector<16xi32>
        %swap3A_516 = arith.index_cast %add3A_504 : i32 to index
        %swap3A_517 = tpu.vector_load %arg6[%swap3A_516] masked %eq3A_511 {strides = array<i32>} : memref<50016xi32, #tpu.memory_space<vmem>>, vector<16xi32>, vector<16xi1>
        tpu.vector_store %arg6[%swap3A_516], %add3A_515 masked %eq3A_511 {strides = array<i32>} : memref<50016xi32, #tpu.memory_space<vmem>>, vector<16xi32>, vector<16xi1>
        %convert_element_type3A_518 = arith.extui %eq3A_511 : vector<16xi1> to vector<16xi32>
        %reduce_sum3A_519 = arith.constant true
        %reduce_sum3A_520 = vector.broadcast %reduce_sum3A_519 : i1 to vector<16xi1>
        %reduce_sum3A_521 = tpu.scan <sum>, %convert_element_type3A_518 masked %reduce_sum3A_520 : vector<16xi32>, vector<16xi1> -> vector<16xi32>
        %reduce_sum3A_522 = vector.extract %reduce_sum3A_521[15] : i32 from vector<16xi32>
        %add3A_523 = arith.addi %add3A_504, %reduce_sum3A_522 : i32
        %add3A_524 = arith.constant 3 : i32
        %add3A_525 = arith.addi %mul3A_255, %add3A_524 : i32
        %mul3A_526 = arith.constant 16 : i32
        %mul3A_527 = arith.muli %add3A_525, %mul3A_526 : i32
        %get3A_528 = arith.index_cast %mul3A_527 : i32 to index
        %get3A_529 = tpu.vector_load %arg5[%get3A_528] {strides = array<i32>} : memref<50000xi32, #tpu.memory_space<vmem>>, vector<16xi32>,
        %eq3A_530 = arith.cmpi eq, %get3A_529, %get3A_5 : vector<16xi32>
        %mul3A_531 = arith.constant 16 : i32
        %mul3A_532 = arith.muli %add3A_525, %mul3A_531 : i32
        %add3A_533 = vector.broadcast %mul3A_532 : i32 to vector<16xi32>
        %add3A_534 = arith.addi %add3A_533, %iota3A : vector<16xi32>
        %swap3A_535 = arith.index_cast %add3A_523 : i32 to index
        %swap3A_536 = tpu.vector_load %arg6[%swap3A_535] masked %eq3A_530 {strides = array<i32>} : memref<50016xi32, #tpu.memory_space<vmem>>, vector<16xi32>, vector<16xi1>
        tpu.vector_store %arg6[%swap3A_535], %add3A_534 masked %eq3A_530 {strides = array<i32>} : memref<50016xi32, #tpu.memory_space<vmem>>, vector<16xi32>, vector<16xi1>
        %convert_element_type3A_537 = arith.extui %eq3A_530 : vector<16xi1> to vector<16xi32>
        %reduce_sum3A_538 = arith.constant true
        %reduce_sum3A_539 = vector.broadcast %reduce_sum3A_538 : i1 to vector<16xi1>
        %reduce_sum3A_540 = tpu.scan <sum>, %convert_element_type3A_537 masked %reduce_sum3A_539 : vector<16xi32>, vector<16xi1> -> vector<16xi32>
        %reduce_sum3A_541 = vector.extract %reduce_sum3A_540[15] : i32 from vector<16xi32>
        %add3A_542 = arith.addi %add3A_523, %reduce_sum3A_541 : i32
        %add3A_543 = arith.constant 4 : i32
        %add3A_544 = arith.addi %mul3A_255, %add3A_543 : i32
        %mul3A_545 = arith.constant 16 : i32
        %mul3A_546 = arith.muli %add3A_544, %mul3A_545 : i32
        %get3A_547 = arith.index_cast %mul3A_546 : i32 to index
        %get3A_548 = tpu.vector_load %arg5[%get3A_547] {strides = array<i32>} : memref<50000xi32, #tpu.memory_space<vmem>>, vector<16xi32>,
        %eq3A_549 = arith.cmpi eq, %get3A_548, %get3A_5 : vector<16xi32>
        %mul3A_550 = arith.constant 16 : i32
        %mul3A_551 = arith.muli %add3A_544, %mul3A_550 : i32
        %add3A_552 = vector.broadcast %mul3A_551 : i32 to vector<16xi32>
        %add3A_553 = arith.addi %add3A_552, %iota3A : vector<16xi32>
        %swap3A_554 = arith.index_cast %add3A_542 : i32 to index
        %swap3A_555 = tpu.vector_load %arg6[%swap3A_554] masked %eq3A_549 {strides = array<i32>} : memref<50016xi32, #tpu.memory_space<vmem>>, vector<16xi32>, vector<16xi1>
        tpu.vector_store %arg6[%swap3A_554], %add3A_553 masked %eq3A_549 {strides = array<i32>} : memref<50016xi32, #tpu.memory_space<vmem>>, vector<16xi32>, vector<16xi1>
        %convert_element_type3A_556 = arith.extui %eq3A_549 : vector<16xi1> to vector<16xi32>
        %reduce_sum3A_557 = arith.constant true
        %reduce_sum3A_558 = vector.broadcast %reduce_sum3A_557 : i1 to vector<16xi1>
        %reduce_sum3A_559 = tpu.scan <sum>, %convert_element_type3A_556 masked %reduce_sum3A_558 : vector<16xi32>, vector<16xi1> -> vector<16xi32>
        %reduce_sum3A_560 = vector.extract %reduce_sum3A_559[15] : i32 from vector<16xi32>
        %add3A_561 = arith.addi %add3A_542, %reduce_sum3A_560 : i32
        %add3A_562 = arith.constant 5 : i32
        %add3A_563 = arith.addi %mul3A_255, %add3A_562 : i32
        %mul3A_564 = arith.constant 16 : i32
        %mul3A_565 = arith.muli %add3A_563, %mul3A_564 : i32
        %get3A_566 = arith.index_cast %mul3A_565 : i32 to index
        %get3A_567 = tpu.vector_load %arg5[%get3A_566] {strides = array<i32>} : memref<50000xi32, #tpu.memory_space<vmem>>, vector<16xi32>,
        %eq3A_568 = arith.cmpi eq, %get3A_567, %get3A_5 : vector<16xi32>
        %mul3A_569 = arith.constant 16 : i32
        %mul3A_570 = arith.muli %add3A_563, %mul3A_569 : i32
        %add3A_571 = vector.broadcast %mul3A_570 : i32 to vector<16xi32>
        %add3A_572 = arith.addi %add3A_571, %iota3A : vector<16xi32>
        %swap3A_573 = arith.index_cast %add3A_561 : i32 to index
        %swap3A_574 = tpu.vector_load %arg6[%swap3A_573] masked %eq3A_568 {strides = array<i32>} : memref<50016xi32, #tpu.memory_space<vmem>>, vector<16xi32>, vector<16xi1>
        tpu.vector_store %arg6[%swap3A_573], %add3A_572 masked %eq3A_568 {strides = array<i32>} : memref<50016xi32, #tpu.memory_space<vmem>>, vector<16xi32>, vector<16xi1>
        %convert_element_type3A_575 = arith.extui %eq3A_568 : vector<16xi1> to vector<16xi32>
        %reduce_sum3A_576 = arith.constant true
        %reduce_sum3A_577 = vector.broadcast %reduce_sum3A_576 : i1 to vector<16xi1>
        %reduce_sum3A_578 = tpu.scan <sum>, %convert_element_type3A_575 masked %reduce_sum3A_577 : vector<16xi32>, vector<16xi1> -> vector<16xi32>
        %reduce_sum3A_579 = vector.extract %reduce_sum3A_578[15] : i32 from vector<16xi32>
        %add3A_580 = arith.addi %add3A_561, %reduce_sum3A_579 : i32
        %add3A_581 = arith.constant 6 : i32
        %add3A_582 = arith.addi %mul3A_255, %add3A_581 : i32
        %mul3A_583 = arith.constant 16 : i32
        %mul3A_584 = arith.muli %add3A_582, %mul3A_583 : i32
        %get3A_585 = arith.index_cast %mul3A_584 : i32 to index
        %get3A_586 = tpu.vector_load %arg5[%get3A_585] {strides = array<i32>} : memref<50000xi32, #tpu.memory_space<vmem>>, vector<16xi32>,
        %eq3A_587 = arith.cmpi eq, %get3A_586, %get3A_5 : vector<16xi32>
        %mul3A_588 = arith.constant 16 : i32
        %mul3A_589 = arith.muli %add3A_582, %mul3A_588 : i32
        %add3A_590 = vector.broadcast %mul3A_589 : i32 to vector<16xi32>
        %add3A_591 = arith.addi %add3A_590, %iota3A : vector<16xi32>
        %swap3A_592 = arith.index_cast %add3A_580 : i32 to index
        %swap3A_593 = tpu.vector_load %arg6[%swap3A_592] masked %eq3A_587 {strides = array<i32>} : memref<50016xi32, #tpu.memory_space<vmem>>, vector<16xi32>, vector<16xi1>
        tpu.vector_store %arg6[%swap3A_592], %add3A_591 masked %eq3A_587 {strides = array<i32>} : memref<50016xi32, #tpu.memory_space<vmem>>, vector<16xi32>, vector<16xi1>
        %convert_element_type3A_594 = arith.extui %eq3A_587 : vector<16xi1> to vector<16xi32>
        %reduce_sum3A_595 = arith.constant true
        %reduce_sum3A_596 = vector.broadcast %reduce_sum3A_595 : i1 to vector<16xi1>
        %reduce_sum3A_597 = tpu.scan <sum>, %convert_element_type3A_594 masked %reduce_sum3A_596 : vector<16xi32>, vector<16xi1> -> vector<16xi32>
        %reduce_sum3A_598 = vector.extract %reduce_sum3A_597[15] : i32 from vector<16xi32>
        %add3A_599 = arith.addi %add3A_580, %reduce_sum3A_598 : i32
        %add3A_600 = arith.constant 7 : i32
        %add3A_601 = arith.addi %mul3A_255, %add3A_600 : i32
        %mul3A_602 = arith.constant 16 : i32
        %mul3A_603 = arith.muli %add3A_601, %mul3A_602 : i32
        %get3A_604 = arith.index_cast %mul3A_603 : i32 to index
        %get3A_605 = tpu.vector_load %arg5[%get3A_604] {strides = array<i32>} : memref<50000xi32, #tpu.memory_space<vmem>>, vector<16xi32>,
        %eq3A_606 = arith.cmpi eq, %get3A_605, %get3A_5 : vector<16xi32>
        %mul3A_607 = arith.constant 16 : i32
        %mul3A_608 = arith.muli %add3A_601, %mul3A_607 : i32
        %add3A_609 = vector.broadcast %mul3A_608 : i32 to vector<16xi32>
        %add3A_610 = arith.addi %add3A_609, %iota3A : vector<16xi32>
        %swap3A_611 = arith.index_cast %add3A_599 : i32 to index
        %swap3A_612 = tpu.vector_load %arg6[%swap3A_611] masked %eq3A_606 {strides = array<i32>} : memref<50016xi32, #tpu.memory_space<vmem>>, vector<16xi32>, vector<16xi1>
        tpu.vector_store %arg6[%swap3A_611], %add3A_610 masked %eq3A_606 {strides = array<i32>} : memref<50016xi32, #tpu.memory_space<vmem>>, vector<16xi32>, vector<16xi1>
        %convert_element_type3A_613 = arith.extui %eq3A_606 : vector<16xi1> to vector<16xi32>
        %reduce_sum3A_614 = arith.constant true
        %reduce_sum3A_615 = vector.broadcast %reduce_sum3A_614 : i1 to vector<16xi1>
        %reduce_sum3A_616 = tpu.scan <sum>, %convert_element_type3A_613 masked %reduce_sum3A_615 : vector<16xi32>, vector<16xi1> -> vector<16xi32>
        %reduce_sum3A_617 = vector.extract %reduce_sum3A_616[15] : i32 from vector<16xi32>
        %add3A_618 = arith.addi %add3A_599, %reduce_sum3A_617 : i32
        %add3A_619 = arith.constant 8 : i32
        %add3A_620 = arith.addi %mul3A_255, %add3A_619 : i32
        %mul3A_621 = arith.constant 16 : i32
        %mul3A_622 = arith.muli %add3A_620, %mul3A_621 : i32
        %get3A_623 = arith.index_cast %mul3A_622 : i32 to index
        %get3A_624 = tpu.vector_load %arg5[%get3A_623] {strides = array<i32>} : memref<50000xi32, #tpu.memory_space<vmem>>, vector<16xi32>,
        %eq3A_625 = arith.cmpi eq, %get3A_624, %get3A_5 : vector<16xi32>
        %mul3A_626 = arith.constant 16 : i32
        %mul3A_627 = arith.muli %add3A_620, %mul3A_626 : i32
        %add3A_628 = vector.broadcast %mul3A_627 : i32 to vector<16xi32>
        %add3A_629 = arith.addi %add3A_628, %iota3A : vector<16xi32>
        %swap3A_630 = arith.index_cast %add3A_618 : i32 to index
        %swap3A_631 = tpu.vector_load %arg6[%swap3A_630] masked %eq3A_625 {strides = array<i32>} : memref<50016xi32, #tpu.memory_space<vmem>>, vector<16xi32>, vector<16xi1>
        tpu.vector_store %arg6[%swap3A_630], %add3A_629 masked %eq3A_625 {strides = array<i32>} : memref<50016xi32, #tpu.memory_space<vmem>>, vector<16xi32>, vector<16xi1>
        %convert_element_type3A_632 = arith.extui %eq3A_625 : vector<16xi1> to vector<16xi32>
        %reduce_sum3A_633 = arith.constant true
        %reduce_sum3A_634 = vector.broadcast %reduce_sum3A_633 : i1 to vector<16xi1>
        %reduce_sum3A_635 = tpu.scan <sum>, %convert_element_type3A_632 masked %reduce_sum3A_634 : vector<16xi32>, vector<16xi1> -> vector<16xi32>
        %reduce_sum3A_636 = vector.extract %reduce_sum3A_635[15] : i32 from vector<16xi32>
        %add3A_637 = arith.addi %add3A_618, %reduce_sum3A_636 : i32
        %add3A_638 = arith.constant 9 : i32
        %add3A_639 = arith.addi %mul3A_255, %add3A_638 : i32
        %mul3A_640 = arith.constant 16 : i32
        %mul3A_641 = arith.muli %add3A_639, %mul3A_640 : i32
        %get3A_642 = arith.index_cast %mul3A_641 : i32 to index
        %get3A_643 = tpu.vector_load %arg5[%get3A_642] {strides = array<i32>} : memref<50000xi32, #tpu.memory_space<vmem>>, vector<16xi32>,
        %eq3A_644 = arith.cmpi eq, %get3A_643, %get3A_5 : vector<16xi32>
        %mul3A_645 = arith.constant 16 : i32
        %mul3A_646 = arith.muli %add3A_639, %mul3A_645 : i32
        %add3A_647 = vector.broadcast %mul3A_646 : i32 to vector<16xi32>
        %add3A_648 = arith.addi %add3A_647, %iota3A : vector<16xi32>
        %swap3A_649 = arith.index_cast %add3A_637 : i32 to index
        %swap3A_650 = tpu.vector_load %arg6[%swap3A_649] masked %eq3A_644 {strides = array<i32>} : memref<50016xi32, #tpu.memory_space<vmem>>, vector<16xi32>, vector<16xi1>
        tpu.vector_store %arg6[%swap3A_649], %add3A_648 masked %eq3A_644 {strides = array<i32>} : memref<50016xi32, #tpu.memory_space<vmem>>, vector<16xi32>, vector<16xi1>
        %convert_element_type3A_651 = arith.extui %eq3A_644 : vector<16xi1> to vector<16xi32>
        %reduce_sum3A_652 = arith.constant true
        %reduce_sum3A_653 = vector.broadcast %reduce_sum3A_652 : i1 to vector<16xi1>
        %reduce_sum3A_654 = tpu.scan <sum>, %convert_element_type3A_651 masked %reduce_sum3A_653 : vector<16xi32>, vector<16xi1> -> vector<16xi32>
        %reduce_sum3A_655 = vector.extract %reduce_sum3A_654[15] : i32 from vector<16xi32>
        %add3A_656 = arith.addi %add3A_637, %reduce_sum3A_655 : i32
        %add3A_657 = arith.constant 10 : i32
        %add3A_658 = arith.addi %mul3A_255, %add3A_657 : i32
        %mul3A_659 = arith.constant 16 : i32
        %mul3A_660 = arith.muli %add3A_658, %mul3A_659 : i32
        %get3A_661 = arith.index_cast %mul3A_660 : i32 to index
        %get3A_662 = tpu.vector_load %arg5[%get3A_661] {strides = array<i32>} : memref<50000xi32, #tpu.memory_space<vmem>>, vector<16xi32>,
        %eq3A_663 = arith.cmpi eq, %get3A_662, %get3A_5 : vector<16xi32>
        %mul3A_664 = arith.constant 16 : i32
        %mul3A_665 = arith.muli %add3A_658, %mul3A_664 : i32
        %add3A_666 = vector.broadcast %mul3A_665 : i32 to vector<16xi32>
        %add3A_667 = arith.addi %add3A_666, %iota3A : vector<16xi32>
        %swap3A_668 = arith.index_cast %add3A_656 : i32 to index
        %swap3A_669 = tpu.vector_load %arg6[%swap3A_668] masked %eq3A_663 {strides = array<i32>} : memref<50016xi32, #tpu.memory_space<vmem>>, vector<16xi32>, vector<16xi1>
        tpu.vector_store %arg6[%swap3A_668], %add3A_667 masked %eq3A_663 {strides = array<i32>} : memref<50016xi32, #tpu.memory_space<vmem>>, vector<16xi32>, vector<16xi1>
        %convert_element_type3A_670 = arith.extui %eq3A_663 : vector<16xi1> to vector<16xi32>
        %reduce_sum3A_671 = arith.constant true
        %reduce_sum3A_672 = vector.broadcast %reduce_sum3A_671 : i1 to vector<16xi1>
        %reduce_sum3A_673 = tpu.scan <sum>, %convert_element_type3A_670 masked %reduce_sum3A_672 : vector<16xi32>, vector<16xi1> -> vector<16xi32>
        %reduce_sum3A_674 = vector.extract %reduce_sum3A_673[15] : i32 from vector<16xi32>
        %add3A_675 = arith.addi %add3A_656, %reduce_sum3A_674 : i32
        %add3A_676 = arith.constant 11 : i32
        %add3A_677 = arith.addi %mul3A_255, %add3A_676 : i32
        %mul3A_678 = arith.constant 16 : i32
        %mul3A_679 = arith.muli %add3A_677, %mul3A_678 : i32
        %get3A_680 = arith.index_cast %mul3A_679 : i32 to index
        %get3A_681 = tpu.vector_load %arg5[%get3A_680] {strides = array<i32>} : memref<50000xi32, #tpu.memory_space<vmem>>, vector<16xi32>,
        %eq3A_682 = arith.cmpi eq, %get3A_681, %get3A_5 : vector<16xi32>
        %mul3A_683 = arith.constant 16 : i32
        %mul3A_684 = arith.muli %add3A_677, %mul3A_683 : i32
        %add3A_685 = vector.broadcast %mul3A_684 : i32 to vector<16xi32>
        %add3A_686 = arith.addi %add3A_685, %iota3A : vector<16xi32>
        %swap3A_687 = arith.index_cast %add3A_675 : i32 to index
        %swap3A_688 = tpu.vector_load %arg6[%swap3A_687] masked %eq3A_682 {strides = array<i32>} : memref<50016xi32, #tpu.memory_space<vmem>>, vector<16xi32>, vector<16xi1>
        tpu.vector_store %arg6[%swap3A_687], %add3A_686 masked %eq3A_682 {strides = array<i32>} : memref<50016xi32, #tpu.memory_space<vmem>>, vector<16xi32>, vector<16xi1>
        %convert_element_type3A_689 = arith.extui %eq3A_682 : vector<16xi1> to vector<16xi32>
        %reduce_sum3A_690 = arith.constant true
        %reduce_sum3A_691 = vector.broadcast %reduce_sum3A_690 : i1 to vector<16xi1>
        %reduce_sum3A_692 = tpu.scan <sum>, %convert_element_type3A_689 masked %reduce_sum3A_691 : vector<16xi32>, vector<16xi1> -> vector<16xi32>
        %reduce_sum3A_693 = vector.extract %reduce_sum3A_692[15] : i32 from vector<16xi32>
        %add3A_694 = arith.addi %add3A_675, %reduce_sum3A_693 : i32
        %add3A_695 = arith.constant 12 : i32
        %add3A_696 = arith.addi %mul3A_255, %add3A_695 : i32
        %mul3A_697 = arith.constant 16 : i32
        %mul3A_698 = arith.muli %add3A_696, %mul3A_697 : i32
        %get3A_699 = arith.index_cast %mul3A_698 : i32 to index
        %get3A_700 = tpu.vector_load %arg5[%get3A_699] {strides = array<i32>} : memref<50000xi32, #tpu.memory_space<vmem>>, vector<16xi32>,
        %eq3A_701 = arith.cmpi eq, %get3A_700, %get3A_5 : vector<16xi32>
        %mul3A_702 = arith.constant 16 : i32
        %mul3A_703 = arith.muli %add3A_696, %mul3A_702 : i32
        %add3A_704 = vector.broadcast %mul3A_703 : i32 to vector<16xi32>
        %add3A_705 = arith.addi %add3A_704, %iota3A : vector<16xi32>
        %swap3A_706 = arith.index_cast %add3A_694 : i32 to index
        %swap3A_707 = tpu.vector_load %arg6[%swap3A_706] masked %eq3A_701 {strides = array<i32>} : memref<50016xi32, #tpu.memory_space<vmem>>, vector<16xi32>, vector<16xi1>
        tpu.vector_store %arg6[%swap3A_706], %add3A_705 masked %eq3A_701 {strides = array<i32>} : memref<50016xi32, #tpu.memory_space<vmem>>, vector<16xi32>, vector<16xi1>
        %convert_element_type3A_708 = arith.extui %eq3A_701 : vector<16xi1> to vector<16xi32>
        %reduce_sum3A_709 = arith.constant true
        %reduce_sum3A_710 = vector.broadcast %reduce_sum3A_709 : i1 to vector<16xi1>
        %reduce_sum3A_711 = tpu.scan <sum>, %convert_element_type3A_708 masked %reduce_sum3A_710 : vector<16xi32>, vector<16xi1> -> vector<16xi32>
        %reduce_sum3A_712 = vector.extract %reduce_sum3A_711[15] : i32 from vector<16xi32>
        %add3A_713 = arith.addi %add3A_694, %reduce_sum3A_712 : i32
        %add3A_714 = arith.constant 13 : i32
        %add3A_715 = arith.addi %mul3A_255, %add3A_714 : i32
        %mul3A_716 = arith.constant 16 : i32
        %mul3A_717 = arith.muli %add3A_715, %mul3A_716 : i32
        %get3A_718 = arith.index_cast %mul3A_717 : i32 to index
        %get3A_719 = tpu.vector_load %arg5[%get3A_718] {strides = array<i32>} : memref<50000xi32, #tpu.memory_space<vmem>>, vector<16xi32>,
        %eq3A_720 = arith.cmpi eq, %get3A_719, %get3A_5 : vector<16xi32>
        %mul3A_721 = arith.constant 16 : i32
        %mul3A_722 = arith.muli %add3A_715, %mul3A_721 : i32
        %add3A_723 = vector.broadcast %mul3A_722 : i32 to vector<16xi32>
        %add3A_724 = arith.addi %add3A_723, %iota3A : vector<16xi32>
        %swap3A_725 = arith.index_cast %add3A_713 : i32 to index
        %swap3A_726 = tpu.vector_load %arg6[%swap3A_725] masked %eq3A_720 {strides = array<i32>} : memref<50016xi32, #tpu.memory_space<vmem>>, vector<16xi32>, vector<16xi1>
        tpu.vector_store %arg6[%swap3A_725], %add3A_724 masked %eq3A_720 {strides = array<i32>} : memref<50016xi32, #tpu.memory_space<vmem>>, vector<16xi32>, vector<16xi1>
        %convert_element_type3A_727 = arith.extui %eq3A_720 : vector<16xi1> to vector<16xi32>
        %reduce_sum3A_728 = arith.constant true
        %reduce_sum3A_729 = vector.broadcast %reduce_sum3A_728 : i1 to vector<16xi1>
        %reduce_sum3A_730 = tpu.scan <sum>, %convert_element_type3A_727 masked %reduce_sum3A_729 : vector<16xi32>, vector<16xi1> -> vector<16xi32>
        %reduce_sum3A_731 = vector.extract %reduce_sum3A_730[15] : i32 from vector<16xi32>
        %add3A_732 = arith.addi %add3A_713, %reduce_sum3A_731 : i32
        %add3A_733 = arith.constant 14 : i32
        %add3A_734 = arith.addi %mul3A_255, %add3A_733 : i32
        %mul3A_735 = arith.constant 16 : i32
        %mul3A_736 = arith.muli %add3A_734, %mul3A_735 : i32
        %get3A_737 = arith.index_cast %mul3A_736 : i32 to index
        %get3A_738 = tpu.vector_load %arg5[%get3A_737] {strides = array<i32>} : memref<50000xi32, #tpu.memory_space<vmem>>, vector<16xi32>,
        %eq3A_739 = arith.cmpi eq, %get3A_738, %get3A_5 : vector<16xi32>
        %mul3A_740 = arith.constant 16 : i32
        %mul3A_741 = arith.muli %add3A_734, %mul3A_740 : i32
        %add3A_742 = vector.broadcast %mul3A_741 : i32 to vector<16xi32>
        %add3A_743 = arith.addi %add3A_742, %iota3A : vector<16xi32>
        %swap3A_744 = arith.index_cast %add3A_732 : i32 to index
        %swap3A_745 = tpu.vector_load %arg6[%swap3A_744] masked %eq3A_739 {strides = array<i32>} : memref<50016xi32, #tpu.memory_space<vmem>>, vector<16xi32>, vector<16xi1>
        tpu.vector_store %arg6[%swap3A_744], %add3A_743 masked %eq3A_739 {strides = array<i32>} : memref<50016xi32, #tpu.memory_space<vmem>>, vector<16xi32>, vector<16xi1>
        %convert_element_type3A_746 = arith.extui %eq3A_739 : vector<16xi1> to vector<16xi32>
        %reduce_sum3A_747 = arith.constant true
        %reduce_sum3A_748 = vector.broadcast %reduce_sum3A_747 : i1 to vector<16xi1>
        %reduce_sum3A_749 = tpu.scan <sum>, %convert_element_type3A_746 masked %reduce_sum3A_748 : vector<16xi32>, vector<16xi1> -> vector<16xi32>
        %reduce_sum3A_750 = vector.extract %reduce_sum3A_749[15] : i32 from vector<16xi32>
        %add3A_751 = arith.addi %add3A_732, %reduce_sum3A_750 : i32
        %add3A_752 = arith.constant 15 : i32
        %add3A_753 = arith.addi %mul3A_255, %add3A_752 : i32
        %mul3A_754 = arith.constant 16 : i32
        %mul3A_755 = arith.muli %add3A_753, %mul3A_754 : i32
        %get3A_756 = arith.index_cast %mul3A_755 : i32 to index
        %get3A_757 = tpu.vector_load %arg5[%get3A_756] {strides = array<i32>} : memref<50000xi32, #tpu.memory_space<vmem>>, vector<16xi32>,
        %eq3A_758 = arith.cmpi eq, %get3A_757, %get3A_5 : vector<16xi32>
        %mul3A_759 = arith.constant 16 : i32
        %mul3A_760 = arith.muli %add3A_753, %mul3A_759 : i32
        %add3A_761 = vector.broadcast %mul3A_760 : i32 to vector<16xi32>
        %add3A_762 = arith.addi %add3A_761, %iota3A : vector<16xi32>
        %swap3A_763 = arith.index_cast %add3A_751 : i32 to index
        %swap3A_764 = tpu.vector_load %arg6[%swap3A_763] masked %eq3A_758 {strides = array<i32>} : memref<50016xi32, #tpu.memory_space<vmem>>, vector<16xi32>, vector<16xi1>
        tpu.vector_store %arg6[%swap3A_763], %add3A_762 masked %eq3A_758 {strides = array<i32>} : memref<50016xi32, #tpu.memory_space<vmem>>, vector<16xi32>, vector<16xi1>
        %convert_element_type3A_765 = arith.extui %eq3A_758 : vector<16xi1> to vector<16xi32>
        %reduce_sum3A_766 = arith.constant true
        %reduce_sum3A_767 = vector.broadcast %reduce_sum3A_766 : i1 to vector<16xi1>
        %reduce_sum3A_768 = tpu.scan <sum>, %convert_element_type3A_765 masked %reduce_sum3A_767 : vector<16xi32>, vector<16xi1> -> vector<16xi32>
        %reduce_sum3A_769 = vector.extract %reduce_sum3A_768[15] : i32 from vector<16xi32>
        %add3A_770 = arith.addi %add3A_751, %reduce_sum3A_769 : i32
        %add3A_771 = arith.constant 16 : i32
        %add3A_772 = arith.addi %mul3A_255, %add3A_771 : i32
        %mul3A_773 = arith.constant 16 : i32
        %mul3A_774 = arith.muli %add3A_772, %mul3A_773 : i32
        %get3A_775 = arith.index_cast %mul3A_774 : i32 to index
        %get3A_776 = tpu.vector_load %arg5[%get3A_775] {strides = array<i32>} : memref<50000xi32, #tpu.memory_space<vmem>>, vector<16xi32>,
        %eq3A_777 = arith.cmpi eq, %get3A_776, %get3A_5 : vector<16xi32>
        %mul3A_778 = arith.constant 16 : i32
        %mul3A_779 = arith.muli %add3A_772, %mul3A_778 : i32
        %add3A_780 = vector.broadcast %mul3A_779 : i32 to vector<16xi32>
        %add3A_781 = arith.addi %add3A_780, %iota3A : vector<16xi32>
        %swap3A_782 = arith.index_cast %add3A_770 : i32 to index
        %swap3A_783 = tpu.vector_load %arg6[%swap3A_782] masked %eq3A_777 {strides = array<i32>} : memref<50016xi32, #tpu.memory_space<vmem>>, vector<16xi32>, vector<16xi1>
        tpu.vector_store %arg6[%swap3A_782], %add3A_781 masked %eq3A_777 {strides = array<i32>} : memref<50016xi32, #tpu.memory_space<vmem>>, vector<16xi32>, vector<16xi1>
        %convert_element_type3A_784 = arith.extui %eq3A_777 : vector<16xi1> to vector<16xi32>
        %reduce_sum3A_785 = arith.constant true
        %reduce_sum3A_786 = vector.broadcast %reduce_sum3A_785 : i1 to vector<16xi1>
        %reduce_sum3A_787 = tpu.scan <sum>, %convert_element_type3A_784 masked %reduce_sum3A_786 : vector<16xi32>, vector<16xi1> -> vector<16xi32>
        %reduce_sum3A_788 = vector.extract %reduce_sum3A_787[15] : i32 from vector<16xi32>
        %add3A_789 = arith.addi %add3A_770, %reduce_sum3A_788 : i32
        %add3A_790 = arith.constant 17 : i32
        %add3A_791 = arith.addi %mul3A_255, %add3A_790 : i32
        %mul3A_792 = arith.constant 16 : i32
        %mul3A_793 = arith.muli %add3A_791, %mul3A_792 : i32
        %get3A_794 = arith.index_cast %mul3A_793 : i32 to index
        %get3A_795 = tpu.vector_load %arg5[%get3A_794] {strides = array<i32>} : memref<50000xi32, #tpu.memory_space<vmem>>, vector<16xi32>,
        %eq3A_796 = arith.cmpi eq, %get3A_795, %get3A_5 : vector<16xi32>
        %mul3A_797 = arith.constant 16 : i32
        %mul3A_798 = arith.muli %add3A_791, %mul3A_797 : i32
        %add3A_799 = vector.broadcast %mul3A_798 : i32 to vector<16xi32>
        %add3A_800 = arith.addi %add3A_799, %iota3A : vector<16xi32>
        %swap3A_801 = arith.index_cast %add3A_789 : i32 to index
        %swap3A_802 = tpu.vector_load %arg6[%swap3A_801] masked %eq3A_796 {strides = array<i32>} : memref<50016xi32, #tpu.memory_space<vmem>>, vector<16xi32>, vector<16xi1>
        tpu.vector_store %arg6[%swap3A_801], %add3A_800 masked %eq3A_796 {strides = array<i32>} : memref<50016xi32, #tpu.memory_space<vmem>>, vector<16xi32>, vector<16xi1>
        %convert_element_type3A_803 = arith.extui %eq3A_796 : vector<16xi1> to vector<16xi32>
        %reduce_sum3A_804 = arith.constant true
        %reduce_sum3A_805 = vector.broadcast %reduce_sum3A_804 : i1 to vector<16xi1>
        %reduce_sum3A_806 = tpu.scan <sum>, %convert_element_type3A_803 masked %reduce_sum3A_805 : vector<16xi32>, vector<16xi1> -> vector<16xi32>
        %reduce_sum3A_807 = vector.extract %reduce_sum3A_806[15] : i32 from vector<16xi32>
        %add3A_808 = arith.addi %add3A_789, %reduce_sum3A_807 : i32
        %add3A_809 = arith.constant 18 : i32
        %add3A_810 = arith.addi %mul3A_255, %add3A_809 : i32
        %mul3A_811 = arith.constant 16 : i32
        %mul3A_812 = arith.muli %add3A_810, %mul3A_811 : i32
        %get3A_813 = arith.index_cast %mul3A_812 : i32 to index
        %get3A_814 = tpu.vector_load %arg5[%get3A_813] {strides = array<i32>} : memref<50000xi32, #tpu.memory_space<vmem>>, vector<16xi32>,
        %eq3A_815 = arith.cmpi eq, %get3A_814, %get3A_5 : vector<16xi32>
        %mul3A_816 = arith.constant 16 : i32
        %mul3A_817 = arith.muli %add3A_810, %mul3A_816 : i32
        %add3A_818 = vector.broadcast %mul3A_817 : i32 to vector<16xi32>
        %add3A_819 = arith.addi %add3A_818, %iota3A : vector<16xi32>
        %swap3A_820 = arith.index_cast %add3A_808 : i32 to index
        %swap3A_821 = tpu.vector_load %arg6[%swap3A_820] masked %eq3A_815 {strides = array<i32>} : memref<50016xi32, #tpu.memory_space<vmem>>, vector<16xi32>, vector<16xi1>
        tpu.vector_store %arg6[%swap3A_820], %add3A_819 masked %eq3A_815 {strides = array<i32>} : memref<50016xi32, #tpu.memory_space<vmem>>, vector<16xi32>, vector<16xi1>
        %convert_element_type3A_822 = arith.extui %eq3A_815 : vector<16xi1> to vector<16xi32>
        %reduce_sum3A_823 = arith.constant true
        %reduce_sum3A_824 = vector.broadcast %reduce_sum3A_823 : i1 to vector<16xi1>
        %reduce_sum3A_825 = tpu.scan <sum>, %convert_element_type3A_822 masked %reduce_sum3A_824 : vector<16xi32>, vector<16xi1> -> vector<16xi32>
        %reduce_sum3A_826 = vector.extract %reduce_sum3A_825[15] : i32 from vector<16xi32>
        %add3A_827 = arith.addi %add3A_808, %reduce_sum3A_826 : i32
        %add3A_828 = arith.constant 19 : i32
        %add3A_829 = arith.addi %mul3A_255, %add3A_828 : i32
        %mul3A_830 = arith.constant 16 : i32
        %mul3A_831 = arith.muli %add3A_829, %mul3A_830 : i32
        %get3A_832 = arith.index_cast %mul3A_831 : i32 to index
        %get3A_833 = tpu.vector_load %arg5[%get3A_832] {strides = array<i32>} : memref<50000xi32, #tpu.memory_space<vmem>>, vector<16xi32>,
        %eq3A_834 = arith.cmpi eq, %get3A_833, %get3A_5 : vector<16xi32>
        %mul3A_835 = arith.constant 16 : i32
        %mul3A_836 = arith.muli %add3A_829, %mul3A_835 : i32
        %add3A_837 = vector.broadcast %mul3A_836 : i32 to vector<16xi32>
        %add3A_838 = arith.addi %add3A_837, %iota3A : vector<16xi32>
        %swap3A_839 = arith.index_cast %add3A_827 : i32 to index
        %swap3A_840 = tpu.vector_load %arg6[%swap3A_839] masked %eq3A_834 {strides = array<i32>} : memref<50016xi32, #tpu.memory_space<vmem>>, vector<16xi32>, vector<16xi1>
        tpu.vector_store %arg6[%swap3A_839], %add3A_838 masked %eq3A_834 {strides = array<i32>} : memref<50016xi32, #tpu.memory_space<vmem>>, vector<16xi32>, vector<16xi1>
        %convert_element_type3A_841 = arith.extui %eq3A_834 : vector<16xi1> to vector<16xi32>
        %reduce_sum3A_842 = arith.constant true
        %reduce_sum3A_843 = vector.broadcast %reduce_sum3A_842 : i1 to vector<16xi1>
        %reduce_sum3A_844 = tpu.scan <sum>, %convert_element_type3A_841 masked %reduce_sum3A_843 : vector<16xi32>, vector<16xi1> -> vector<16xi32>
        %reduce_sum3A_845 = vector.extract %reduce_sum3A_844[15] : i32 from vector<16xi32>
        %add3A_846 = arith.addi %add3A_827, %reduce_sum3A_845 : i32
        %add3A_847 = arith.constant 20 : i32
        %add3A_848 = arith.addi %mul3A_255, %add3A_847 : i32
        %mul3A_849 = arith.constant 16 : i32
        %mul3A_850 = arith.muli %add3A_848, %mul3A_849 : i32
        %get3A_851 = arith.index_cast %mul3A_850 : i32 to index
        %get3A_852 = tpu.vector_load %arg5[%get3A_851] {strides = array<i32>} : memref<50000xi32, #tpu.memory_space<vmem>>, vector<16xi32>,
        %eq3A_853 = arith.cmpi eq, %get3A_852, %get3A_5 : vector<16xi32>
        %mul3A_854 = arith.constant 16 : i32
        %mul3A_855 = arith.muli %add3A_848, %mul3A_854 : i32
        %add3A_856 = vector.broadcast %mul3A_855 : i32 to vector<16xi32>
        %add3A_857 = arith.addi %add3A_856, %iota3A : vector<16xi32>
        %swap3A_858 = arith.index_cast %add3A_846 : i32 to index
        %swap3A_859 = tpu.vector_load %arg6[%swap3A_858] masked %eq3A_853 {strides = array<i32>} : memref<50016xi32, #tpu.memory_space<vmem>>, vector<16xi32>, vector<16xi1>
        tpu.vector_store %arg6[%swap3A_858], %add3A_857 masked %eq3A_853 {strides = array<i32>} : memref<50016xi32, #tpu.memory_space<vmem>>, vector<16xi32>, vector<16xi1>
        %convert_element_type3A_860 = arith.extui %eq3A_853 : vector<16xi1> to vector<16xi32>
        %reduce_sum3A_861 = arith.constant true
        %reduce_sum3A_862 = vector.broadcast %reduce_sum3A_861 : i1 to vector<16xi1>
        %reduce_sum3A_863 = tpu.scan <sum>, %convert_element_type3A_860 masked %reduce_sum3A_862 : vector<16xi32>, vector<16xi1> -> vector<16xi32>
        %reduce_sum3A_864 = vector.extract %reduce_sum3A_863[15] : i32 from vector<16xi32>
        %add3A_865 = arith.addi %add3A_846, %reduce_sum3A_864 : i32
        %add3A_866 = arith.constant 21 : i32
        %add3A_867 = arith.addi %mul3A_255, %add3A_866 : i32
        %mul3A_868 = arith.constant 16 : i32
        %mul3A_869 = arith.muli %add3A_867, %mul3A_868 : i32
        %get3A_870 = arith.index_cast %mul3A_869 : i32 to index
        %get3A_871 = tpu.vector_load %arg5[%get3A_870] {strides = array<i32>} : memref<50000xi32, #tpu.memory_space<vmem>>, vector<16xi32>,
        %eq3A_872 = arith.cmpi eq, %get3A_871, %get3A_5 : vector<16xi32>
        %mul3A_873 = arith.constant 16 : i32
        %mul3A_874 = arith.muli %add3A_867, %mul3A_873 : i32
        %add3A_875 = vector.broadcast %mul3A_874 : i32 to vector<16xi32>
        %add3A_876 = arith.addi %add3A_875, %iota3A : vector<16xi32>
        %swap3A_877 = arith.index_cast %add3A_865 : i32 to index
        %swap3A_878 = tpu.vector_load %arg6[%swap3A_877] masked %eq3A_872 {strides = array<i32>} : memref<50016xi32, #tpu.memory_space<vmem>>, vector<16xi32>, vector<16xi1>
        tpu.vector_store %arg6[%swap3A_877], %add3A_876 masked %eq3A_872 {strides = array<i32>} : memref<50016xi32, #tpu.memory_space<vmem>>, vector<16xi32>, vector<16xi1>
        %convert_element_type3A_879 = arith.extui %eq3A_872 : vector<16xi1> to vector<16xi32>
        %reduce_sum3A_880 = arith.constant true
        %reduce_sum3A_881 = vector.broadcast %reduce_sum3A_880 : i1 to vector<16xi1>
        %reduce_sum3A_882 = tpu.scan <sum>, %convert_element_type3A_879 masked %reduce_sum3A_881 : vector<16xi32>, vector<16xi1> -> vector<16xi32>
        %reduce_sum3A_883 = vector.extract %reduce_sum3A_882[15] : i32 from vector<16xi32>
        %add3A_884 = arith.addi %add3A_865, %reduce_sum3A_883 : i32
        %add3A_885 = arith.constant 22 : i32
        %add3A_886 = arith.addi %mul3A_255, %add3A_885 : i32
        %mul3A_887 = arith.constant 16 : i32
        %mul3A_888 = arith.muli %add3A_886, %mul3A_887 : i32
        %get3A_889 = arith.index_cast %mul3A_888 : i32 to index
        %get3A_890 = tpu.vector_load %arg5[%get3A_889] {strides = array<i32>} : memref<50000xi32, #tpu.memory_space<vmem>>, vector<16xi32>,
        %eq3A_891 = arith.cmpi eq, %get3A_890, %get3A_5 : vector<16xi32>
        %mul3A_892 = arith.constant 16 : i32
        %mul3A_893 = arith.muli %add3A_886, %mul3A_892 : i32
        %add3A_894 = vector.broadcast %mul3A_893 : i32 to vector<16xi32>
        %add3A_895 = arith.addi %add3A_894, %iota3A : vector<16xi32>
        %swap3A_896 = arith.index_cast %add3A_884 : i32 to index
        %swap3A_897 = tpu.vector_load %arg6[%swap3A_896] masked %eq3A_891 {strides = array<i32>} : memref<50016xi32, #tpu.memory_space<vmem>>, vector<16xi32>, vector<16xi1>
        tpu.vector_store %arg6[%swap3A_896], %add3A_895 masked %eq3A_891 {strides = array<i32>} : memref<50016xi32, #tpu.memory_space<vmem>>, vector<16xi32>, vector<16xi1>
        %convert_element_type3A_898 = arith.extui %eq3A_891 : vector<16xi1> to vector<16xi32>
        %reduce_sum3A_899 = arith.constant true
        %reduce_sum3A_900 = vector.broadcast %reduce_sum3A_899 : i1 to vector<16xi1>
        %reduce_sum3A_901 = tpu.scan <sum>, %convert_element_type3A_898 masked %reduce_sum3A_900 : vector<16xi32>, vector<16xi1> -> vector<16xi32>
        %reduce_sum3A_902 = vector.extract %reduce_sum3A_901[15] : i32 from vector<16xi32>
        %add3A_903 = arith.addi %add3A_884, %reduce_sum3A_902 : i32
        %add3A_904 = arith.constant 23 : i32
        %add3A_905 = arith.addi %mul3A_255, %add3A_904 : i32
        %mul3A_906 = arith.constant 16 : i32
        %mul3A_907 = arith.muli %add3A_905, %mul3A_906 : i32
        %get3A_908 = arith.index_cast %mul3A_907 : i32 to index
        %get3A_909 = tpu.vector_load %arg5[%get3A_908] {strides = array<i32>} : memref<50000xi32, #tpu.memory_space<vmem>>, vector<16xi32>,
        %eq3A_910 = arith.cmpi eq, %get3A_909, %get3A_5 : vector<16xi32>
        %mul3A_911 = arith.constant 16 : i32
        %mul3A_912 = arith.muli %add3A_905, %mul3A_911 : i32
        %add3A_913 = vector.broadcast %mul3A_912 : i32 to vector<16xi32>
        %add3A_914 = arith.addi %add3A_913, %iota3A : vector<16xi32>
        %swap3A_915 = arith.index_cast %add3A_903 : i32 to index
        %swap3A_916 = tpu.vector_load %arg6[%swap3A_915] masked %eq3A_910 {strides = array<i32>} : memref<50016xi32, #tpu.memory_space<vmem>>, vector<16xi32>, vector<16xi1>
        tpu.vector_store %arg6[%swap3A_915], %add3A_914 masked %eq3A_910 {strides = array<i32>} : memref<50016xi32, #tpu.memory_space<vmem>>, vector<16xi32>, vector<16xi1>
        %convert_element_type3A_917 = arith.extui %eq3A_910 : vector<16xi1> to vector<16xi32>
        %reduce_sum3A_918 = arith.constant true
        %reduce_sum3A_919 = vector.broadcast %reduce_sum3A_918 : i1 to vector<16xi1>
        %reduce_sum3A_920 = tpu.scan <sum>, %convert_element_type3A_917 masked %reduce_sum3A_919 : vector<16xi32>, vector<16xi1> -> vector<16xi32>
        %reduce_sum3A_921 = vector.extract %reduce_sum3A_920[15] : i32 from vector<16xi32>
        %add3A_922 = arith.addi %add3A_903, %reduce_sum3A_921 : i32
        %add3A_923 = arith.constant 24 : i32
        %add3A_924 = arith.addi %mul3A_255, %add3A_923 : i32
        %mul3A_925 = arith.constant 16 : i32
        %mul3A_926 = arith.muli %add3A_924, %mul3A_925 : i32
        %get3A_927 = arith.index_cast %mul3A_926 : i32 to index
        %get3A_928 = tpu.vector_load %arg5[%get3A_927] {strides = array<i32>} : memref<50000xi32, #tpu.memory_space<vmem>>, vector<16xi32>,
        %eq3A_929 = arith.cmpi eq, %get3A_928, %get3A_5 : vector<16xi32>
        %mul3A_930 = arith.constant 16 : i32
        %mul3A_931 = arith.muli %add3A_924, %mul3A_930 : i32
        %add3A_932 = vector.broadcast %mul3A_931 : i32 to vector<16xi32>
        %add3A_933 = arith.addi %add3A_932, %iota3A : vector<16xi32>
        %swap3A_934 = arith.index_cast %add3A_922 : i32 to index
        %swap3A_935 = tpu.vector_load %arg6[%swap3A_934] masked %eq3A_929 {strides = array<i32>} : memref<50016xi32, #tpu.memory_space<vmem>>, vector<16xi32>, vector<16xi1>
        tpu.vector_store %arg6[%swap3A_934], %add3A_933 masked %eq3A_929 {strides = array<i32>} : memref<50016xi32, #tpu.memory_space<vmem>>, vector<16xi32>, vector<16xi1>
        %convert_element_type3A_936 = arith.extui %eq3A_929 : vector<16xi1> to vector<16xi32>
        %reduce_sum3A_937 = arith.constant true
        %reduce_sum3A_938 = vector.broadcast %reduce_sum3A_937 : i1 to vector<16xi1>
        %reduce_sum3A_939 = tpu.scan <sum>, %convert_element_type3A_936 masked %reduce_sum3A_938 : vector<16xi32>, vector<16xi1> -> vector<16xi32>
        %reduce_sum3A_940 = vector.extract %reduce_sum3A_939[15] : i32 from vector<16xi32>
        %add3A_941 = arith.addi %add3A_922, %reduce_sum3A_940 : i32
        scf.yield %add3A_941 : i32
      } else {
        scf.yield %scan3A_253 : i32
      }
      scf.yield %cond3A_467 : i32
    }
    %scan3A_222 = arith.constant 125 : i32
    %add3A_223 = arith.constant 15 : i32
    %add3A_224 = arith.addi %scan3A_221, %add3A_223 : i32
    %jit3A = arith.constant 16 : i32
    %div3A = arith.divsi %add3A_224, %jit3A : i32
    %sign3A = arith.constant 0 : i32
    %sign3A_225 = arith.cmpi sgt, %add3A_224, %sign3A : i32
    %sign3A_226 = arith.extui %sign3A_225 : i1 to i32
    %sign3A_227 = arith.constant 0 : i32
    %sign3A_228 = arith.cmpi slt, %add3A_224, %sign3A_227 : i32
    %sign3A_229 = arith.extui %sign3A_228 : i1 to i32
    %sign3A_230 = arith.subi %sign3A_226, %sign3A_229 : i32
    %sign3A_231 = arith.constant 0 : i32
    %sign3A_232 = arith.cmpi sgt, %jit3A, %sign3A_231 : i32
    %sign3A_233 = arith.extui %sign3A_232 : i1 to i32
    %sign3A_234 = arith.constant 0 : i32
    %sign3A_235 = arith.cmpi slt, %jit3A, %sign3A_234 : i32
    %sign3A_236 = arith.extui %sign3A_235 : i1 to i32
    %sign3A_237 = arith.subi %sign3A_233, %sign3A_236 : i32
    %ne3A = arith.cmpi ne, %sign3A_230, %sign3A_237 : i32
    %rem3A = arith.remsi %add3A_224, %jit3A : i32
    %ne3A_238 = arith.constant 0 : i32
    %ne3A_239 = arith.cmpi ne, %rem3A, %ne3A_238 : i32
    %and3A = arith.andi %ne3A, %ne3A_239 : i1
    %sub3A = arith.constant 1 : i32
    %sub3A_240 = arith.subi %div3A, %sub3A : i32
    %select_n3A = arith.select %and3A, %sub3A_240, %div3A : i32
    %while3A = arith.constant 0 : i32
    %while3A_241 = arith.constant 0 : i32
    %while3A_242 = arith.subi %select_n3A, %while3A_241 : i32
    %while3A_243 = arith.addi %while3A_241, %while3A_242 : i32
    %while3A_244 = arith.constant 1 : i32
    %while3A_245 = arith.divsi %while3A_242, %while3A_244 : i32
    %while3A_246 = arith.muli %while3A_245, %while3A_244 : i32
    %while3A_247 = arith.addi %while3A_241, %while3A_246 : i32
    %while3A_248 = arith.constant 1 : i32
    scf.for %while3A_252 = %while3A_241 to %while3A_247 step %while3A_248  : i32 {
      %mul3A_253 = arith.constant 16 : i32
      %mul3A_254 = arith.muli %while3A_252, %mul3A_253 : i32
      %add3A_255 = vector.broadcast %mul3A_254 : i32 to vector<16xi32>
      %add3A_256 = arith.addi %add3A_255, %iota3A : vector<16xi32>
      %lt3A = vector.broadcast %scan3A_221 : i32 to vector<16xi32>
      %lt3A_257 = arith.cmpi slt, %add3A_256, %lt3A : vector<16xi32>
      %mul3A_258 = arith.constant 16 : i32
      %mul3A_259 = arith.muli %while3A_252, %mul3A_258 : i32
      %get3A_260 = arith.index_cast %mul3A_259 : i32 to index
      %get3A_261 = tpu.vector_load %arg6[%get3A_260] {strides = array<i32>} : memref<50016xi32, #tpu.memory_space<vmem>>, vector<16xi32>,
      %add3A_262 = vector.broadcast %mul3A_2 : i32 to vector<16xi32>
      %add3A_263 = arith.addi %add3A_262, %get3A_261 : vector<16xi32>
      %jit3A_264 = arith.constant 0 : i32
      %broadcast_in_dim3A_265 = vector.broadcast %jit3A_264 : i32 to vector<16xi32>
      %select_n3A_266 = arith.select %lt3A_257, %add3A_263, %broadcast_in_dim3A_265 : vector<16xi1>, vector<16xi32>
      "tpu.region"() ({
        %run_scoped3A = tpu.sem_alloc : memref<!tpu.dma_semaphore, #tpu.memory_space<semaphore_mem>>
        %dma_start3A_274 = arith.constant 0 : i32
        %dma_start3A_275 = tpu.memref_slice %arg2[%dma_start3A_274] : memref<3200000xi32, #tpu.memory_space<hbm>> -> memref<3200000xi32, #tpu.memory_space<hbm>>
        tpu.enqueue_indirect_dma source(%dma_start3A_275 : memref<3200000xi32, #tpu.memory_space<hbm>>) target(%arg10 : memref<16xi32, #tpu.memory_space<vmem>>) offsets(%select_n3A_266 : vector<16xi32>) semaphore(%run_scoped3A : memref<!tpu.dma_semaphore, #tpu.memory_space<semaphore_mem>>)
        %dma_wait3A_276 = arith.constant 0 : i32
        %dma_wait3A_277 = tpu.memref_slice %arg2[%dma_wait3A_276] : memref<3200000xi32, #tpu.memory_space<hbm>> -> memref<3200000xi32, #tpu.memory_space<hbm>>
        tpu.wait_indirect_dma semaphore(%run_scoped3A : memref<!tpu.dma_semaphore, #tpu.memory_space<semaphore_mem>>) src(%dma_wait3A_277 : memref<3200000xi32, #tpu.memory_space<hbm>>) dst(%arg10 : memref<16xi32, #tpu.memory_space<vmem>>)
        tpu.yield
      }) : () -> ()
      %get3A_267 = arith.constant 0 : index
      %get3A_268 = tpu.vector_load %arg10[%get3A_267] {strides = array<i32>} : memref<16xi32, #tpu.memory_space<vmem>>, vector<16xi32>,
      %jit3A_269 = arith.constant 50160 : i32
      %broadcast_in_dim3A_270 = vector.broadcast %jit3A_269 : i32 to vector<16xi32>
      %select_n3A_271 = arith.select %lt3A_257, %get3A_268, %broadcast_in_dim3A_270 : vector<16xi1>, vector<16xi32>
      %add3A_272 = vector.broadcast %mul3A_4 : i32 to vector<16xi32>
      %add3A_273 = arith.addi %add3A_272, %select_n3A_271 : vector<16xi32>
      "tpu.region"() ({
        %run_scoped3A = tpu.sem_alloc : memref<!tpu.dma_semaphore, #tpu.memory_space<semaphore_mem>>
        %dma_start3A_274 = arith.constant 0 : i32
        %dma_start3A_275 = tpu.memref_slice %arg4[%dma_start3A_274] : memref<100352xi32, #tpu.memory_space<hbm>> -> memref<100352xi32, #tpu.memory_space<hbm>>
        tpu.enqueue_indirect_dma source(%arg9 : memref<16xi32, #tpu.memory_space<vmem>>) target(%dma_start3A_275 : memref<100352xi32, #tpu.memory_space<hbm>>) offsets(%add3A_273 : vector<16xi32>) semaphore(%run_scoped3A : memref<!tpu.dma_semaphore, #tpu.memory_space<semaphore_mem>>)
        %dma_wait3A_276 = arith.constant 0 : i32
        %dma_wait3A_277 = tpu.memref_slice %arg4[%dma_wait3A_276] : memref<100352xi32, #tpu.memory_space<hbm>> -> memref<100352xi32, #tpu.memory_space<hbm>>
        tpu.wait_indirect_dma semaphore(%run_scoped3A : memref<!tpu.dma_semaphore, #tpu.memory_space<semaphore_mem>>) src(%arg9 : memref<16xi32, #tpu.memory_space<vmem>>) dst(%dma_wait3A_277 : memref<100352xi32, #tpu.memory_space<hbm>>)
        tpu.yield
      }) : () -> ()
    }
    %while3A_249 = arith.constant 1 : i32
    scf.for %while3A_252 = %while3A_247 to %while3A_243 step %while3A_249  : i32 {
      %mul3A_253 = arith.constant 16 : i32
      %mul3A_254 = arith.muli %while3A_252, %mul3A_253 : i32
      %add3A_255 = vector.broadcast %mul3A_254 : i32 to vector<16xi32>
      %add3A_256 = arith.addi %add3A_255, %iota3A : vector<16xi32>
      %lt3A = vector.broadcast %scan3A_221 : i32 to vector<16xi32>
      %lt3A_257 = arith.cmpi slt, %add3A_256, %lt3A : vector<16xi32>
      %mul3A_258 = arith.constant 16 : i32
      %mul3A_259 = arith.muli %while3A_252, %mul3A_258 : i32
      %get3A_260 = arith.index_cast %mul3A_259 : i32 to index
      %get3A_261 = tpu.vector_load %arg6[%get3A_260] {strides = array<i32>} : memref<50016xi32, #tpu.memory_space<vmem>>, vector<16xi32>,
      %add3A_262 = vector.broadcast %mul3A_2 : i32 to vector<16xi32>
      %add3A_263 = arith.addi %add3A_262, %get3A_261 : vector<16xi32>
      %jit3A_264 = arith.constant 0 : i32
      %broadcast_in_dim3A_265 = vector.broadcast %jit3A_264 : i32 to vector<16xi32>
      %select_n3A_266 = arith.select %lt3A_257, %add3A_263, %broadcast_in_dim3A_265 : vector<16xi1>, vector<16xi32>
      "tpu.region"() ({
        %run_scoped3A = tpu.sem_alloc : memref<!tpu.dma_semaphore, #tpu.memory_space<semaphore_mem>>
        %dma_start3A_274 = arith.constant 0 : i32
        %dma_start3A_275 = tpu.memref_slice %arg2[%dma_start3A_274] : memref<3200000xi32, #tpu.memory_space<hbm>> -> memref<3200000xi32, #tpu.memory_space<hbm>>
        tpu.enqueue_indirect_dma source(%dma_start3A_275 : memref<3200000xi32, #tpu.memory_space<hbm>>) target(%arg10 : memref<16xi32, #tpu.memory_space<vmem>>) offsets(%select_n3A_266 : vector<16xi32>) semaphore(%run_scoped3A : memref<!tpu.dma_semaphore, #tpu.memory_space<semaphore_mem>>)
        %dma_wait3A_276 = arith.constant 0 : i32
        %dma_wait3A_277 = tpu.memref_slice %arg2[%dma_wait3A_276] : memref<3200000xi32, #tpu.memory_space<hbm>> -> memref<3200000xi32, #tpu.memory_space<hbm>>
        tpu.wait_indirect_dma semaphore(%run_scoped3A : memref<!tpu.dma_semaphore, #tpu.memory_space<semaphore_mem>>) src(%dma_wait3A_277 : memref<3200000xi32, #tpu.memory_space<hbm>>) dst(%arg10 : memref<16xi32, #tpu.memory_space<vmem>>)
        tpu.yield
      }) : () -> ()
      %get3A_267 = arith.constant 0 : index
      %get3A_268 = tpu.vector_load %arg10[%get3A_267] {strides = array<i32>} : memref<16xi32, #tpu.memory_space<vmem>>, vector<16xi32>,
      %jit3A_269 = arith.constant 50160 : i32
      %broadcast_in_dim3A_270 = vector.broadcast %jit3A_269 : i32 to vector<16xi32>
      %select_n3A_271 = arith.select %lt3A_257, %get3A_268, %broadcast_in_dim3A_270 : vector<16xi1>, vector<16xi32>
      %add3A_272 = vector.broadcast %mul3A_4 : i32 to vector<16xi32>
      %add3A_273 = arith.addi %add3A_272, %select_n3A_271 : vector<16xi32>
      "tpu.region"() ({
        %run_scoped3A = tpu.sem_alloc : memref<!tpu.dma_semaphore, #tpu.memory_space<semaphore_mem>>
        %dma_start3A_274 = arith.constant 0 : i32
        %dma_start3A_275 = tpu.memref_slice %arg4[%dma_start3A_274] : memref<100352xi32, #tpu.memory_space<hbm>> -> memref<100352xi32, #tpu.memory_space<hbm>>
        tpu.enqueue_indirect_dma source(%arg9 : memref<16xi32, #tpu.memory_space<vmem>>) target(%dma_start3A_275 : memref<100352xi32, #tpu.memory_space<hbm>>) offsets(%add3A_273 : vector<16xi32>) semaphore(%run_scoped3A : memref<!tpu.dma_semaphore, #tpu.memory_space<semaphore_mem>>)
        %dma_wait3A_276 = arith.constant 0 : i32
        %dma_wait3A_277 = tpu.memref_slice %arg4[%dma_wait3A_276] : memref<100352xi32, #tpu.memory_space<hbm>> -> memref<100352xi32, #tpu.memory_space<hbm>>
        tpu.wait_indirect_dma semaphore(%run_scoped3A : memref<!tpu.dma_semaphore, #tpu.memory_space<semaphore_mem>>) src(%arg9 : memref<16xi32, #tpu.memory_space<vmem>>) dst(%dma_wait3A_277 : memref<100352xi32, #tpu.memory_space<hbm>>)
        tpu.yield
      }) : () -> ()
    }
    %eq3A = arith.constant 0 : i32
    %eq3A_250 = arith.cmpi eq, %add3A, %eq3A : i32
    %convert_element_type3A = arith.extui %eq3A_250 : i1 to i32
    %cond3A = arith.constant 0 : i32
    %cond3A_251 = arith.cmpi ne, %convert_element_type3A, %cond3A : i32
    scf.if %cond3A_251 {
      %eq3A_252 = arith.constant 0 : i32
      %eq3A_253 = vector.broadcast %eq3A_252 : i32 to vector<16xi32>
      %eq3A_254 = arith.cmpi eq, %iota3A, %eq3A_253 : vector<16xi32>
      %jit3A_255 = arith.constant 50160 : i32
      %broadcast_in_dim3A_256 = vector.broadcast %jit3A_255 : i32 to vector<16xi32>
      %select_n3A_257 = arith.select %eq3A_254, %get3A_5, %broadcast_in_dim3A_256 : vector<16xi1>, vector<16xi32>
      "tpu.region"() ({
        %run_scoped3A = tpu.sem_alloc : memref<!tpu.dma_semaphore, #tpu.memory_space<semaphore_mem>>
        %dma_start3A_258 = arith.constant 0 : i32
        %dma_start3A_259 = tpu.memref_slice %arg4[%dma_start3A_258] : memref<100352xi32, #tpu.memory_space<hbm>> -> memref<100352xi32, #tpu.memory_space<hbm>>
        tpu.enqueue_indirect_dma source(%arg9 : memref<16xi32, #tpu.memory_space<vmem>>) target(%dma_start3A_259 : memref<100352xi32, #tpu.memory_space<hbm>>) offsets(%select_n3A_257 : vector<16xi32>) semaphore(%run_scoped3A : memref<!tpu.dma_semaphore, #tpu.memory_space<semaphore_mem>>)
        %dma_wait3A_260 = arith.constant 0 : i32
        %dma_wait3A_261 = tpu.memref_slice %arg4[%dma_wait3A_260] : memref<100352xi32, #tpu.memory_space<hbm>> -> memref<100352xi32, #tpu.memory_space<hbm>>
        tpu.wait_indirect_dma semaphore(%run_scoped3A : memref<!tpu.dma_semaphore, #tpu.memory_space<semaphore_mem>>) src(%arg9 : memref<16xi32, #tpu.memory_space<vmem>>) dst(%dma_wait3A_261 : memref<100352xi32, #tpu.memory_space<hbm>>)
        tpu.yield
      }) : () -> ()
    } else {
    }
    return
  }
}

</mosaic_0001>

<sc_bundles>
// kernel: kernel.4.cloned.1.call-start
scs
__scs_entry_jumppad:
0x0: {  	(pc) =	sbr.rel $0x88, $3  }
0x1: {  	(tag) =	ssettag $0x0;
	lr =	simm.s32 $0x1  }
0x2: {  	[smem:$0x3F9F] =	sst lr;
	_ =	strace $0xD0000000  }
0x3: {  	_ = 	snop  }
0x4: {  	_ = 	snop  }
0x5: {  	_ = 	snop  }
0x6: {  	_ = 	snop  }
0x7: {  	_ = 	snop  }
__scs_overlays_trampoline_lowered:
0x8: {  	[smem:$0x3FAE] =	sst s0  }
0x9: {  	[smem:$0x3FAF] =	sst s1  }
0xa: {  	[smem:$0x3FB0] =	sst s2  }
0xb: {  	[smem:$0x3FB1] =	sst s3  }
0xc: {  	[smem:$0x3FB2] =	sst s4  }
0xd: {  	[smem:$0x3FB3] =	sst s5  }
0xe: {  	[smem:$0x3FB4] =	sst s6  }
0xf: {  	[smem:$0x3FB5] =	sst s7  }
0x10: {  	[smem:$0x3FB6] =	sst s8  }
0x11: {  	[smem:$0x3FB7] =	sst s9;
	s0 =	simm.s32 @!p0 $0x0  }
0x12: {  	s1 =	sld [smem:$0x3F9D];
	s0 =	simm.s32 @p0 $0x1  }
0x13: {  	[smem:$0x3FB8] =	sst s0;
	s0 =	simm.s32 @!p1 $0x0  }
0x14: {  	s2 =	sld [smem:$0x3F9C];
	s0 =	simm.s32 @p1 $0x1  }
0x15: {  	[smem:$0x3FB9] =	sst s0;
	s0 =	simm.s32 @!p2 $0x0  }
0x16: {  	s3 =	sld [smem:$0x3FDB];
	s0 =	simm.s32 @p2 $0x1  }
0x17: {  	s4 =	simm.s32 $0x1BF5;
	[smem:$0x3FBB] =	sst s0  }
0x18: {  	s0 =	sld [smem:$0x3F9E];
	_ =	swait.ge [sflag:s4], $0x0  }
0x19: {  	s7 =	sld [smem:$0x3F9F]  }
0x1a: {  	s8 =	sadd.s32 $0xFFFFE003, lr  }
0x1b: {  	s9 =	sadd.s32 $0xFFFFFEF7, lr;
	s5 =	simm.s32 $0xFFFFFFFF;
	p2 =	slt.u32 s8, $0xFFFFF086  }
0x1c: {  	p1 =	slt.u32 s9, $0xF7A;
	s5 =	simm.s32 @!p2 $0x0  }
0x1d: {  	s5 =	simm.s32 @p1 $0x1;
	p0 =	seq.s32 s7, s2  }
0x1e: {  	s7 =	smul.u32 @!p0 $0xF7A, s2;
	p2 =	seq.s32 @!p0 s5, $0x0  }
0x1f: {  	s9 =	smul.u32 $0xF7A, s1;
	s8 =	simm.s32 @!p0 $0x1BF5;
	p2 =	por !p2, p0  }
0x20: {  	[sflag:s8] =	ssyncset.s32 @!p0 $0xFFFFF086;
	s6 =	sadd.s32 @!p0 s3, s7;
	s7 =	simm.s32 @!p0 $0x108  }
0x21: {  	s3 =	sadd.s32 s3, s9;
	s6 =	sadd.s32 @!p0 $0x88, s6;
	s7 =	simm.s32 @p2 $0x1082  }
0x22: {  	[simem:s7], [sflag:s8] =	dma.local @!p0 [hbm:s6], $0xF7A  }
0x23: {  	s9 =	sor.u32 $0xD0000000, s2;
	s6 =	simm.s32 $0x108;
	_ =	swait.ge @!p0 [sflag:s8], $0x0  }
0x24: {  	s3 =	sadd.s32 $0x88, s3;
	s6 =	simm.s32 @!p1 $0x1082;
	[sflag:s4] =	ssyncset.s32 $0xFFFFF086  }
0x25: {  	[simem:s6], [sflag:s4] =	dma.local [hbm:s3], $0xF7A  }
0x26: {  	[smem:$0x3F9F] =	sst s1;
	(tag) =	ssettag s2;
	_ =	strace s9  }
0x27: {  	s1 =	sld [smem:$0x3FAF]  }
0x28: {  	s2 =	sld [smem:$0x3FB0]  }
0x29: {  	s4 =	sld [smem:$0x3FB2]  }
0x2a: {  	p0 =	seq.s32 s5, $0x0;
	s5 =	sld [smem:$0x3FB3]  }
0x2b: {  	s6 =	sld [smem:$0x3FB4]  }
0x2c: {  	s7 =	sld [smem:$0x3FB5]  }
0x2d: {  	s3 =	simm.s32 $0x108;
	s8 =	sld [smem:$0x3FB6]  }
0x2e: {  	s3 =	simm.s32 @!p0 $0x1082;
	s9 =	sld [smem:$0x3FB7]  }
0x2f: {  	lr =	sadd.s32 s0, s3;
	s0 =	sld [smem:$0x3FAE]  }
0x30: {  	s3 =	sld [smem:$0x3FB1]  }
0x31: {  	[smem:$0x3FBA] =	sst s10  }
0x32: {  	s10 =	sld [smem:$0x3FB8];
	_ =	sdelay $0x3  }
0x33: {  	p0 =	seq.s32 s10, $0x1;
	s10 =	sld [smem:$0x3FBA];
	_ =	sdelay $0x3  }
0x34: {  	[smem:$0x3FBA] =	sst s10  }
0x35: {  	s10 =	sld [smem:$0x3FB9];
	_ =	sdelay $0x3  }
0x36: {  	p1 =	seq.s32 s10, $0x1;
	s10 =	sld [smem:$0x3FBA];
	_ =	sdelay $0x3  }
0x37: {  	[smem:$0x3FBA] =	sst s10  }
0x38: {  	s10 =	sld [smem:$0x3FBB]  }
0x39: {  	_ = 	snop;
	(pc) =	sbr.ind lr, $3  }
0x3a: {  	_ = 	snop  }
0x3b: {  	_ = 	snop  }
0x3c: {  	p2 =	seq.s32 s10, $0x1;
	s10 =	sld [smem:$0x3FBA]  }
0x3d: {  	_ =	shalt  }
0x3e: {  	_ =	shalt  }
0x3f: {  	_ =	shalt  }
0x40: {  	_ =	shalt  }
0x41: {  	_ =	shalt  }
0x42: {  	_ =	shalt  }
0x43: {  	_ =	shalt  }
0x44: {  	_ =	shalt  }
0x45: {  	_ =	shalt  }
0x46: {  	_ =	shalt  }
0x47: {  	_ =	shalt  }
0x48: {  	_ =	shalt  }
0x49: {  	_ =	shalt  }
0x4a: {  	_ =	shalt  }
0x4b: {  	_ =	shalt  }
0x4c: {  	_ =	shalt  }
0x4d: {  	_ =	shalt  }
0x4e: {  	_ =	shalt  }
0x4f: {  	_ =	shalt  }
0x50: {  	_ =	shalt  }
0x51: {  	_ =	shalt  }
0x52: {  	_ =	shalt  }
0x53: {  	_ =	shalt  }
0x54: {  	_ =	shalt  }
0x55: {  	_ =	shalt  }
0x56: {  	_ =	shalt  }
0x57: {  	_ =	shalt  }
0x58: {  	_ =	shalt  }
0x59: {  	_ =	shalt  }
0x5a: {  	_ =	shalt  }
0x5b: {  	_ =	shalt  }
0x5c: {  	_ =	shalt  }
0x5d: {  	_ =	shalt  }
0x5e: {  	_ =	shalt  }
0x5f: {  	_ =	shalt  }
0x60: {  	_ =	shalt  }
0x61: {  	_ =	shalt  }
0x62: {  	_ =	shalt  }
0x63: {  	_ =	shalt  }
0x64: {  	_ =	shalt  }
0x65: {  	_ =	shalt  }
0x66: {  	_ =	shalt  }
0x67: {  	_ =	shalt  }
0x68: {  	_ =	shalt  }
0x69: {  	_ =	shalt  }
0x6a: {  	_ =	shalt  }
0x6b: {  	_ =	shalt  }
0x6c: {  	_ =	shalt  }
0x6d: {  	_ =	shalt  }
0x6e: {  	_ =	shalt  }
0x6f: {  	_ =	shalt  }
0x70: {  	_ =	shalt  }
0x71: {  	_ =	shalt  }
0x72: {  	_ =	shalt  }
0x73: {  	_ =	shalt  }
0x74: {  	_ =	shalt  }
0x75: {  	_ =	shalt  }
0x76: {  	_ =	shalt  }
0x77: {  	_ =	shalt  }
0x78: {  	_ =	shalt  }
0x79: {  	_ =	shalt  }
0x7a: {  	_ =	shalt  }
0x7b: {  	_ =	shalt  }
0x7c: {  	_ =	shalt  }
0x7d: {  	_ =	shalt  }
0x7e: {  	_ =	shalt  }
0x7f: {  	_ =	shalt  }
0x80: {  	_ =	shalt  }
0x81: {  	_ =	shalt  }
0x82: {  	_ =	shalt  }
0x83: {  	_ =	shalt  }
0x84: {  	_ =	shalt  }
0x85: {  	_ =	shalt  }
0x86: {  	_ =	shalt  }
0x87: {  	_ =	shalt  }
.Lfunc_end0:
.L_simem_size_0:
called_computation_lowered:
.L_overlay_start_0:
0x88: {  	s2 =	sld [smem:$0x3FD9]  }
0x89: {  	s3 =	sld [smem:$0x3FFE];
	_ =	sdelay $0x1  }
0x8a: {  	s1 =	srdreg.scid  }
0x8b: {  	s0 =	sand.u32 $0x1, s1  }
0x8c: {  	s17 =	sshll.u32 s0, $0xA;
	s2 =	sadd.s32 s3, s2  }
0x8d: {  	s2 =	sadd.s32 s2, s17  }
0x8e: {  	[smem:$0x3FC6] =	sst s2  }
0x8f: {  	_ = 	snop  }
0x90: {  	s2 =	sld [smem:$0x3FD0];
	(tm) =	ssettm $0x1  }
0x91: {  	s18 =	sld [smem:$0x3FFB];
	_ =	sdelay $0x3  }
0x92: {  	_ =	strace s18  }
0x93: {  	s3 =	sld [smem:$0x3FFC];
	_ =	sdelay $0x3  }
0x94: {  	_ =	strace s3  }
0x95: {  	s3 =	sld [smem:$0x3FFD];
	_ =	sdelay $0x3  }
0x96: {  	_ =	strace s3  }
0x97: {  	_ =	strace $0x8FFFFFFF  }
0x98: {  	s19 =	sld [smem:$0x3FDB];
	_ =	sdelay $0x1  }
0x99: {  	s4 =	simm.s32 $_scs_section_size  }
0x9a: {  	s5 =	simm.s32 $_size__tile_overlayer_lowered;
	s6 =	simm.s32 $_tile_overlayer_lowered  }
0x9b: {  	s22 =	simm.s32 $0x1BFF;
	s21 =	sshll.u32 s6, $0x1;
	s3 =	sadd.s32 s4, s19  }
0x9c: {  	s7 =	simm.s32 $0x0;
	s20 =	sshll.u32 s5, $0x1;
	s5 =	sadd.s32 s21, s3  }
0x9d: {  	[timem:s7], [sflag:s22] =	dma.local [hbm:s5], s20  }
0x9e: {  	_ =	swait.ge [sflag:s22], s20  }
0x9f: {  	s4 =	ssub.s32 $0x0, s20;
	[sflag:s22] =	ssyncset.done $0x0  }
0xa0: {  	[sflag:s22] =	ssyncadd.s32 s4;
	_ =	sdelay $0x1  }
0xa1: {  	s23 =	simm.s32 $0x1B8B  }
0xa2: {  	_ =	swait.ge [sflag:s23], $0x1  }
0xa3: {  	[sflag:s23] =	ssyncset.done $0x0  }
0xa4: {  	s25 =	simm.s32 $0x1B8E;
	s24 =	sld [smem:$0x3FFE];
	[sflag:s23] =	ssyncadd.s32 $0xFFFFFFFF  }
0xa5: {  	s26 =	simm.s32 $execute0_lowered;
	[smem:$0x3FD2] =	sst s25  }
0xa6: {  	s5 =	sshll.u32 s26, $0x1;
	_ =	strace $0x80000046;
	[dreg:$0x1] =	wrdreg $0xFFFFFFFF  }
0xa7: {  	s28 =	simm.s32 $_size_execute0_lowered;
	s3 =	sadd.s32 s3, s5;
	[dreg:$0x0] =	wrdreg $0x0  }
0xa8: {  	s5 =	sshll.u32 s28, $0x1;
	[dreg:$0x2] =	wrdreg s3  }
0xa9: {  	[dreg:$0x3] =	wrdreg s5  }
0xaa: {  	[dreg:$0x4] =	wrdreg $0xC0  }
0xab: {  	_ =	task [dreg:s7], $0x5FFFF  }
0xac: {  	[dreg:$0x1] =	wrdreg $0xFFFFFFFF  }
0xad: {  	[dreg:$0x0] =	wrdreg $0x60  }
0xae: {  	[dreg:$0x2] =	wrdreg s24  }
0xaf: {  	[dreg:$0x3] =	wrdreg s2  }
0xb0: {  	[dreg:$0x4] =	wrdreg $0x9  }
0xb1: {  	_ =	task.clear_ibuf [dreg:s7], $0x5FFFF;
	_ =	strace $0x90000046  }
0xb2: {  	s29 =	simm.s32 $0x9;
	_ =	strace $0x80000048  }
0xb3: {  	_ =	swait.ge [sflag:s29], $0x1  }
0xb4: {  	[sflag:s29] =	ssyncadd.s32 $0xFFFFFFFF  }
0xb5: {  	_ =	strace $0x90000048  }
0xb6: {  	_ =	sfence  }
0xb7: {  	s30 =	sld [smem:$0x0];
	_ =	sdelay $0x2  }
0xb8: {  	s31 =	sshll.u32 s1, $0xD;
	s1 =	sshrl.u32 s1, $0x2  }
0xb9: {  	s3 =	sand.u32 $0x4000, s31;
	s1 =	sadd.s32 s1, s30  }
0xba: {  	s0 =	sor.u32 s3, s0;
	s1 =	sshll.u32 s1, $0x11  }
0xbb: {  	s0 =	sor.u32 s1, s0  }
0xbc: {  	s0 =	sadd.s32 $0x8F2B, s0  }
0xbd: {  	[sflag:s0] =	ssyncadd.remote.s32 $0x1  }
0xbe: {  	_ =	sfence.sel $0xFFFF  }
0xbf: {  	[dreg:$0x0] =	wrdreg $0xFFFFFFFF;
	(pc) =	sbr.abs _section_cstart, $3  }
0xc0: {  	[dreg:$0x1] =	wrdreg $0xFFFFFFFF  }
0xc1: {  	_ =	task.clear_ibuf [dreg:s7], $0x2FFFF;
	_ =	strace $0x9FFFFFFF  }
0xc2: {  	(tm) =	ssettm $0x7FFFFFFF  }
0xc3: {  	_ =	shalt  }
tec
execute0_lowered:
.L_overlay_start_1:
0x0: {  	(tag) =	ssettag $0x1  }
0x1: {  	s0 =	rddreg [dreg:$0x0];
	s2 =	simm.s32 $0x0;
	s1 =	srdreg.scid  }
0x2: {  	s4 =	stileid.u32;
	s19 =	simm.s32 $0x2;
	s30 =	simm.s32 $0xAFC8  }
0x3: {  	s31 =	simm.s32 $0x1;
	[smem:$0x7FF] =	sst s2;
	s1 =	sand.u32 $0x1, s1  }
0x4: {  	s6 =	smul.u32 $0xC40, s4;
	s5 =	sadd.s32 $0x62400, s0;
	_ =	strace $0x80000047  }
0x5: {  	s3 =	sshll.u32 s1, $0x4;
	s18 =	smul.u32 $0xC400, s1;
	s1 =	ssub.s32 $0x2, s1  }
0x6: {  	s3 =	sor.u32 s4, s3;
	s4 =	sadd.s32 $0x800, s0;
	s7 =	sshrl.u32 s1, $0x1  }
0x7: {  	s0 =	simm.s32 $0x19480;
	s20 =	smul.u32 $0xC350, s3;
	s25 =	ssub.s32 s1, s7  }
0x8: {  	s26 =	sadd.s32 s6, s18;
	p0 =	sne.s32 s3, $0x0;
	s3 =	simm.s32 $0x19400  }
0x9: {  	s1 =	sshrl.u32 s26, $0x3;
	s17 =	smax.u32 s25, $0x1;
	s8 =	sadd.s32 $0x187D88, s20  }
0xa: {  	s28 =	sshrl.u32 s20, $0x3;
	s10 =	sadd.s32 $0x18A498, s20;
	s12 =	sadd.s32 $0x18CBA8, s20  }
0xb: {  	s6 =	sadd.s32 s5, s1;
	s14 =	sadd.s32 $0x18F2B8, s20;
	s15 =	sadd.s32 $0x1919C8, s20  }
0xc: {  	s1 =	simm.s32 $0x0;
	s29 =	sadd.s32 s4, s28;
	s8 =	sshrl.u32 s8, $0x3  }
.Ltmp0:
0xd: {  	s10 =	sshrl.u32 s10, $0x3;
	s12 =	sshrl.u32 s12, $0x3;
	(pc) =	sbr.rel .LBB2_1-.Ltmp0, $4  }
0xe: {  	s14 =	sshrl.u32 s14, $0x3;
	s16 =	sshrl.u32 s15, $0x3;
	s7 =	sadd.s32 $0x30D40, s29  }
0xf: {  	s8 =	sadd.s32 s4, s8;
	s9 =	sadd.s32 $0x31222, s29;
	s10 =	sadd.s32 s4, s10  }
0x10: {  	v2 =	vimm.s32 $0x1;
	v3 =	vimm.s32 $0x0;
	v4 =	vimm.f32 $0.0e+00;
	s11 =	sadd.s32 $0x31704, s29;
	s12 =	sadd.s32 s4, s12;
	s13 =	sadd.s32 $0x31BE6, s29  }
0x11: {  	v5 =	vlaneseq.u32;
	v1 =	vmov s18;
	v0 =	vmov s20;
	s14 =	sadd.s32 s4, s14;
	s15 =	sadd.s32 $0x320C8, s29;
	s16 =	sadd.s32 s4, s16  }
.LBB2_10:
0x12: {  	vm0 =	vmmov @!p0 $0x1  }
0x13: {  	v6 =	vnsel @!p0 vm0, $0xC3F0, v6;
	_ =	sdelay $0x2  }
0x14: {  	s1 =	sadd.s32 $0x1, s1  }
0x15: {  	s18 =	simm.s32 @!p0 $0x0;
	s20 =	simm.s32 @!p0 $0x19400;
	vm0 =	vmmov @!p0 $0xffff;
	p1 =	sne.s32 s1, s17  }
0x16: {  	[hbm4b:s5+s18] =	stream.indirect_vreg.scatter @!p0 [tilespmem:s20], [sflag:$0x2], $0x1, v6, vm0, $0xb8;
	[tilespmem:$0x19500] =	vst v63  }
.Ltmp1:
0x17: {  	_ = 	snop;
	(pc) =	sbr.rel @!p1 .LBB2_11-.Ltmp1, $4  }
0x18: {  	s18 =	simm.s32 @!p0 $0x2  }
0x19: {  	_ =	swait.ge @!p0 [sflag:s18], $0x10  }
0x1a: {  	[sflag:s18] =	ssyncset.done @!p0 $0x0  }
0x1b: {  	[sflag:s18] =	ssyncadd.s32 @!p0 $0xFFFFFFF0  }
.LBB2_1:
0x1c: {  	s18 =	rddreg [dreg:$0x1];
	s20 =	simm.s32 $0x19380  }
0x1d: {  	[tilespmem:s20], [sflag:$0x2] =	stream.linear.gather [hbm4b:s18+s2], $0x80, $0x38;
	[tilespmem:$0x19500] =	vst v63  }
0x1e: {  	_ =	swait.ge [sflag:s19], $0x80  }
0x1f: {  	[sflag:s19] =	ssyncset.done $0x0  }
0x20: {  	[sflag:s19] =	ssyncadd.s32 $0xFFFFFF80  }
0x21: {  	s18 =	simm.s32 $0x40;
	s20 =	simm.s32 $0x0;
	v6 =	vld [tilespmem:$0x19380];
	[tilespmem:$0x19400] =	vst v2  }
.LBB2_2:
0x22: {  	p1 =	sne.s32 s18, $0x30C0;
	[tilespmem:s20+$0x18700] =	vst v3;
	s20 =	smov.u32 s18;
	s18 =	sadd.s32 $0x40, s18  }
.Ltmp2:
0x23: {  	(pc) =	sbr.rel @p1 .LBB2_2-.Ltmp2, $2  }
0x24: {  	_ =	sdelay $0x2  }
0x25: {  	s20 =	sshra.s32 s20, $0x2  }
0x26: {  	[tilespmem:s20+$0x18700] =	vst v3;
	s25 =	simm.s32 $0x0;
	s18 =	simm.s32 $0x18700  }
0x27: {  	[hbm4b:s6+s25] =	stream.linear.scatter [tilespmem:s18], [sflag:$0x2], $0xC40, $0x38;
	[tilespmem:$0x19500] =	vst v63  }
0x28: {  	_ =	swait.ge [sflag:s19], $0xC40  }
0x29: {  	[sflag:s19] =	ssyncset.done $0x0  }
0x2a: {  	[sflag:s19] =	ssyncadd.s32 $0xFFFFF3C0  }
0x2b: {  	[tilespmem:s25], [sflag:$0x1] =	stream.linear.gather [hbm4b:s7+s25], $0x1388, $0x38;
	[tilespmem:$0x19500] =	vst v63  }
0x2c: {  	s20 =	simm.s32 $0x1388  }
0x2d: {  	[tilespmem:s20], [sflag:$0x1] =	stream.linear.gather [hbm4b:s8+s25], $0x1388, $0x38;
	[tilespmem:$0x19500] =	vst v63  }
0x2e: {  	s21 =	simm.s32 $0x2710  }
0x2f: {  	[tilespmem:s21], [sflag:$0x1] =	stream.linear.gather [hbm4b:s9+s25], $0x1388, $0x38;
	[tilespmem:$0x19500] =	vst v63  }
0x30: {  	s22 =	simm.s32 $0x3A98  }
0x31: {  	[tilespmem:s22], [sflag:$0x1] =	stream.linear.gather [hbm4b:s10+s25], $0x1388, $0x38;
	[tilespmem:$0x19500] =	vst v63  }
0x32: {  	s23 =	simm.s32 $0x4E20  }
0x33: {  	[tilespmem:s23], [sflag:$0x1] =	stream.linear.gather [hbm4b:s11+s25], $0x1388, $0x38;
	[tilespmem:$0x19500] =	vst v63  }
0x34: {  	s24 =	simm.s32 $0x61A8  }
0x35: {  	[tilespmem:s24], [sflag:$0x1] =	stream.linear.gather [hbm4b:s12+s25], $0x1388, $0x38;
	[tilespmem:$0x19500] =	vst v63  }
0x36: {  	s26 =	simm.s32 $0x7530  }
0x37: {  	[tilespmem:s26], [sflag:$0x1] =	stream.linear.gather [hbm4b:s13+s25], $0x1388, $0x38;
	[tilespmem:$0x19500] =	vst v63  }
0x38: {  	s28 =	simm.s32 $0x88B8  }
0x39: {  	[tilespmem:s28], [sflag:$0x1] =	stream.linear.gather [hbm4b:s14+s25], $0x1388, $0x38;
	[tilespmem:$0x19500] =	vst v63  }
0x3a: {  	s29 =	simm.s32 $0x9C40  }
0x3b: {  	[tilespmem:s29], [sflag:$0x1] =	stream.linear.gather [hbm4b:s15+s25], $0x1388, $0x38;
	[tilespmem:$0x19500] =	vst v63  }
0x3c: {  	_ = 	snop  }
0x3d: {  	[tilespmem:s30], [sflag:$0x1] =	stream.linear.gather [hbm4b:s16+s25], $0x1388, $0x38;
	[tilespmem:$0x19500] =	vst v63  }
0x3e: {  	_ =	swait.ge [sflag:s31], $0x1388  }
0x3f: {  	[sflag:s31] =	ssyncset.done $0x0  }
0x40: {  	[sflag:s31] =	ssyncadd.s32 $0xFFFFEC78  }
0x41: {  	_ =	swait.ge [sflag:s31], $0x1388  }
0x42: {  	[sflag:s31] =	ssyncset.done $0x0  }
0x43: {  	[sflag:s31] =	ssyncadd.s32 $0xFFFFEC78  }
0x44: {  	_ =	swait.ge [sflag:s31], $0x1388  }
0x45: {  	[sflag:s31] =	ssyncset.done $0x0  }
0x46: {  	[sflag:s31] =	ssyncadd.s32 $0xFFFFEC78  }
0x47: {  	_ =	swait.ge [sflag:s31], $0x1388  }
0x48: {  	[sflag:s31] =	ssyncset.done $0x0  }
0x49: {  	[sflag:s31] =	ssyncadd.s32 $0xFFFFEC78  }
0x4a: {  	_ =	swait.ge [sflag:s31], $0x1388  }
0x4b: {  	[sflag:s31] =	ssyncset.done $0x0  }
0x4c: {  	[sflag:s31] =	ssyncadd.s32 $0xFFFFEC78  }
0x4d: {  	_ =	swait.ge [sflag:s31], $0x1388  }
0x4e: {  	[sflag:s31] =	ssyncset.done $0x0  }
0x4f: {  	[sflag:s31] =	ssyncadd.s32 $0xFFFFEC78  }
0x50: {  	_ =	swait.ge [sflag:s31], $0x1388  }
0x51: {  	[sflag:s31] =	ssyncset.done $0x0  }
0x52: {  	[sflag:s31] =	ssyncadd.s32 $0xFFFFEC78  }
0x53: {  	_ =	swait.ge [sflag:s31], $0x1388  }
0x54: {  	[sflag:s31] =	ssyncset.done $0x0  }
0x55: {  	[sflag:s31] =	ssyncadd.s32 $0xFFFFEC78  }
0x56: {  	_ =	swait.ge [sflag:s31], $0x1388  }
0x57: {  	[sflag:s31] =	ssyncset.done $0x0  }
0x58: {  	[sflag:s31] =	ssyncadd.s32 $0xFFFFEC78  }
.Ltmp3:
0x59: {  	_ =	swait.ge [sflag:s31], $0x1388;
	(pc) =	sbr.rel .LBB2_4-.Ltmp3, $4  }
0x5a: {  	[sflag:s31] =	ssyncset.done $0x0  }
0x5b: {  	[sflag:s31] =	ssyncadd.s32 $0xFFFFEC78  }
0x5c: {  	[bflag:$0x0] =	sbarrier.arrive $0xFFFF  }
0x5d: {  	s18 =	simm.s32 $0x180;
	s20 =	simm.s32 $0xC0  }
.LBB2_6:
0x5e: {  	s18 =	sadd.s32 $0x190, s18  }
0x5f: {  	p1 =	sne.s32 s18, $0xC4D0  }
.Ltmp4:
0x60: {  	_ = 	snop;
	(pc) =	sbr.rel @!p1 .LBB2_7-.Ltmp4, $2  }
0x61: {  	_ =	sdelay $0x2  }
0x62: {  	s20 =	sadd.s32 $0x190, s20  }
.LBB2_4:
0x63: {  	v7 =	vld [tilespmem:s20+$0xFFFFFF50]  }
0x64: {  	v8 =	vld [tilespmem:s20+$0xFFFFFF60]  }
0x65: {  	v9 =	vld [tilespmem:s20+$0xFFFFFF70]  }
0x66: {  	v10 =	vld [tilespmem:s20+$0xFFFFFF80]  }
0x67: {  	s28 =	sadd.s32 $0xFFFFFE80, s18;
	v11 =	vld [tilespmem:s20+$0xFFFFFF90];
	s24 =	sadd.s32 $0xFFFFFF00, s18  }
0x68: {  	v12 =	vld [tilespmem:s20+$0xFFFFFFA0];
	s21 =	sand.u32 $0x1FF80, s24;
	s29 =	sand.u32 $0x70, s28  }
0x69: {  	s26 =	sor.u32 s29, s21;
	vm0 =	veq.s32 v7, v6;
	vm1 =	veq.s32 v8, v6;
	v7 =	vld [tilespmem:s20+$0xFFFFFFB0]  }
0x6a: {  	v8 =	vld [tilespmem:s26+$0x0];
	vm0 =	vmor vm0, vm1;
	vm1 =	veq.s32 v9, v6  }
0x6b: {  	v53 =	vld [tilespmem:s20+$0xFFFFFFD0];
	vm0 =	vmor vm0, vm1;
	vm1 =	veq.s32 v10, v6  }
0x6c: {  	v54 =	vld [tilespmem:s20+$0xFFFFFFE0];
	vm0 =	vmor vm0, vm1;
	vm1 =	veq.s32 v11, v6  }
0x6d: {  	v55 =	vld [tilespmem:s20+$0xFFFFFFF0];
	vm0 =	vmor vm0, vm1;
	vm1 =	veq.s32 v12, v6  }
0x6e: {  	vm0 =	vmor vm0, vm1;
	vm1 =	veq.s32 v7, v6;
	v7 =	vld [tilespmem:s20+$0x0]  }
0x6f: {  	s22 =	sadd.s32 $0xFFFFFF80, s18;
	vm0 =	vmor vm0, vm1;
	vm1 =	veq.s32 v8, v6;
	v8 =	vld [tilespmem:s20+$0x10]  }
0x70: {  	v56 =	vld [tilespmem:s20+$0x20];
	s23 =	sand.u32 $0x1FF80, s22;
	vm0 =	vmor vm0, vm1;
	vm1 =	veq.s32 v53, v6  }
0x71: {  	v57 =	vld [tilespmem:s20+$0x30];
	s23 =	sor.u32 s29, s23;
	vm0 =	vmor vm0, vm1;
	vm1 =	veq.s32 v54, v6  }
0x72: {  	v58 =	vld [tilespmem:s23+$0x0];
	vm0 =	vmor vm0, vm1;
	vm1 =	veq.s32 v55, v6  }
0x73: {  	vm0 =	vmor vm0, vm1;
	vm1 =	veq.s32 v7, v6;
	v7 =	vld [tilespmem:s20+$0x50]  }
0x74: {  	vm0 =	vmor vm0, vm1;
	vm1 =	veq.s32 v8, v6;
	v8 =	vld [tilespmem:s20+$0x60]  }
0x75: {  	v59 =	vld [tilespmem:s20+$0x70];
	vm0 =	vmor vm0, vm1;
	vm1 =	veq.s32 v56, v6  }
0x76: {  	v60 =	vld [tilespmem:s20+$0x80];
	vm0 =	vmor vm0, vm1;
	vm1 =	veq.s32 v57, v6  }
0x77: {  	v61 =	vld [tilespmem:s20+$0x90];
	vm0 =	vmor vm0, vm1;
	vm1 =	veq.s32 v58, v6  }
0x78: {  	s21 =	sand.u32 $0x1FF80, s18;
	vm0 =	vmor vm0, vm1;
	vm1 =	veq.s32 v7, v6;
	v7 =	vld [tilespmem:s20+$0xA0]  }
0x79: {  	s21 =	sor.u32 s29, s21;
	vm0 =	vmor vm0, vm1;
	vm1 =	veq.s32 v8, v6;
	v8 =	vld [tilespmem:s20+$0xB0]  }
0x7a: {  	v62 =	vld [tilespmem:s21+$0x0];
	vm0 =	vmor vm0, vm1;
	vm1 =	veq.s32 v59, v6  }
0x7b: {  	v63 =	vld [tilespmem:s20+$0xFFFFFF40];
	vm0 =	vmor vm0, vm1;
	vm1 =	veq.s32 v60, v6  }
0x7c: {  	vm2 =	veq.s32 v61, v6;
	vm0 =	vmor vm0, vm1  }
0x7d: {  	vm1 =	veq.s32 v7, v6;
	vm0 =	vmor vm0, vm2  }
0x7e: {  	vm2 =	veq.s32 v8, v6;
	vm0 =	vmor vm0, vm1  }
0x7f: {  	vm1 =	veq.s32 v62, v6;
	vm2 =	vmor vm0, vm2  }
0x80: {  	vm0 =	veq.s32 v63, v6;
	vm1 =	vmor vm2, vm1  }
0x81: {  	vm1 =	vmor vm0, vm1  }
0x82: {  	v7 =	vsel vm1, $0x3F800000, v4  }
0x83: {  	(xrf0) =	vmax.scan.msk.f32 $0xffff, v7;
	_ =	sdelay $0x5  }
0x84: {  	v7, _, _ =	vpop (xrf0)  }
0x85: {  	(v2sf) =	vpush v7, $0xF;
	_ =	sdelay $0xe  }
0x86: {  	s29 =	spop (v2sf)  }
0x87: {  	p1 =	sgt.f32 s29, $0.0e+00  }
.Ltmp5:
0x88: {  	_ = 	snop;
	(pc) =	sbr.rel @!p1 .LBB2_6-.Ltmp5, $1  }
0x89: {  	_ =	sdelay $0x3  }
0x8a: {  	v7 =	vsel vm0, $0x1, v3  }
0x8b: {  	(xrf0) =	vadd.scan.msk.s32 $0xffff, v7;
	_ =	sdelay $0x5  }
0x8c: {  	v7, _, _ =	vpop (xrf0)  }
0x8d: {  	(v2sf) =	vpush v7, $0xF;
	_ =	sdelay $0x8  }
0x8e: {  	v7 =	vor.u32 s28, v5  }
0x8f: {  	[tilespmem:s25+$0xC380] =	vst.msk vm0, v7  }
0x90: {  	v7 =	vld [tilespmem:s20+$0xFFFFFF50];
	_ =	sdelay $0x3  }
0x91: {  	s28 =	sadd.s32 $0xFFFFFE90, s18;
	s29 =	spop (v2sf)  }
0x92: {  	vm4 =	veq.s32 v7, v6;
	v7 =	vor.u32 s28, v5;
	s25 =	sadd.s32 s25, s29  }
0x93: {  	[tilespmem:s25+$0xC380] =	vst.msk vm4, v7;
	v7 =	vsel vm4, $0x1, v3  }
0x94: {  	(xrf0) =	vadd.scan.msk.s32 $0xffff, v7;
	v7 =	vld [tilespmem:s20+$0xFFFFFF60];
	_ =	sdelay $0x4  }
0x95: {  	vm5 =	veq.s32 v7, v6  }
0x96: {  	v7, _, _ =	vpop (xrf0);
	v8 =	vsel vm5, $0x1, v3  }
0x97: {  	(v2sf) =	vpush v7, $0xF;
	(xrf0) =	vadd.scan.msk.s32 $0xffff, v8;
	_ =	sdelay $0x5  }
0x98: {  	v7, _, _ =	vpop (xrf0)  }
0x99: {  	(v2sf) =	vpush v7, $0xF;
	_ =	sdelay $0x7  }
0x9a: {  	s28 =	sadd.s32 $0xFFFFFEA0, s18;
	s29 =	spop (v2sf)  }
0x9b: {  	v7 =	vor.u32 s28, v5;
	s25 =	sadd.s32 s25, s29  }
0x9c: {  	[tilespmem:s25+$0xC380] =	vst.msk vm5, v7  }
0x9d: {  	v7 =	vld [tilespmem:s20+$0xFFFFFF70];
	_ =	sdelay $0x3  }
0x9e: {  	s28 =	sadd.s32 $0xFFFFFEB0, s18;
	s29 =	spop (v2sf)  }
0x9f: {  	s25 =	sadd.s32 s25, s29;
	vm6 =	veq.s32 v7, v6;
	v7 =	vor.u32 s28, v5  }
0xa0: {  	[tilespmem:s25+$0xC380] =	vst.msk vm6, v7;
	v7 =	vsel vm6, $0x1, v3  }
0xa1: {  	(xrf0) =	vadd.scan.msk.s32 $0xffff, v7;
	v7 =	vld [tilespmem:s20+$0xFFFFFF80];
	_ =	sdelay $0x4  }
0xa2: {  	vm7 =	veq.s32 v7, v6  }
0xa3: {  	v7, _, _ =	vpop (xrf0);
	v8 =	vsel vm7, $0x1, v3  }
0xa4: {  	(v2sf) =	vpush v7, $0xF;
	(xrf0) =	vadd.scan.msk.s32 $0xffff, v8;
	_ =	sdelay $0x5  }
0xa5: {  	v7, _, _ =	vpop (xrf0)  }
0xa6: {  	(v2sf) =	vpush v7, $0xF;
	_ =	sdelay $0x7  }
0xa7: {  	s28 =	sadd.s32 $0xFFFFFEC0, s18;
	s29 =	spop (v2sf)  }
0xa8: {  	v7 =	vor.u32 s28, v5;
	s25 =	sadd.s32 s25, s29  }
0xa9: {  	[tilespmem:s25+$0xC380] =	vst.msk vm7, v7  }
0xaa: {  	v7 =	vld [tilespmem:s20+$0xFFFFFF90];
	_ =	sdelay $0x3  }
0xab: {  	s28 =	sadd.s32 $0xFFFFFED0, s18;
	s29 =	spop (v2sf)  }
0xac: {  	s25 =	sadd.s32 s25, s29;
	vm8 =	veq.s32 v7, v6;
	v7 =	vor.u32 s28, v5  }
0xad: {  	[tilespmem:s25+$0xC380] =	vst.msk vm8, v7;
	v7 =	vsel vm8, $0x1, v3  }
0xae: {  	(xrf0) =	vadd.scan.msk.s32 $0xffff, v7;
	v7 =	vld [tilespmem:s20+$0xFFFFFFA0];
	_ =	sdelay $0x4  }
0xaf: {  	vm9 =	veq.s32 v7, v6  }
0xb0: {  	v7, _, _ =	vpop (xrf0);
	v8 =	vsel vm9, $0x1, v3  }
0xb1: {  	(v2sf) =	vpush v7, $0xF;
	(xrf0) =	vadd.scan.msk.s32 $0xffff, v8;
	_ =	sdelay $0x5  }
0xb2: {  	v7, _, _ =	vpop (xrf0)  }
0xb3: {  	(v2sf) =	vpush v7, $0xF;
	_ =	sdelay $0x7  }
0xb4: {  	s28 =	sadd.s32 $0xFFFFFEE0, s18;
	s29 =	spop (v2sf)  }
0xb5: {  	v7 =	vor.u32 s28, v5;
	s25 =	sadd.s32 s25, s29  }
0xb6: {  	[tilespmem:s25+$0xC380] =	vst.msk vm9, v7  }
0xb7: {  	v7 =	vld [tilespmem:s20+$0xFFFFFFB0];
	_ =	sdelay $0x3  }
0xb8: {  	s28 =	sadd.s32 $0xFFFFFEF0, s18;
	s29 =	spop (v2sf)  }
0xb9: {  	v8 =	vor.u32 s28, v5;
	s25 =	sadd.s32 s25, s29;
	vm10 =	veq.s32 v7, v6  }
0xba: {  	[tilespmem:s25+$0xC380] =	vst.msk vm10, v8;
	v7 =	vsel vm10, $0x1, v3  }
0xbb: {  	(xrf0) =	vadd.scan.msk.s32 $0xffff, v7;
	v7 =	vld [tilespmem:s26+$0x0];
	_ =	sdelay $0x4  }
0xbc: {  	vm11 =	veq.s32 v7, v6  }
0xbd: {  	v7, _, _ =	vpop (xrf0);
	v8 =	vsel vm11, $0x1, v3  }
0xbe: {  	(v2sf) =	vpush v7, $0xF;
	(xrf0) =	vadd.scan.msk.s32 $0xffff, v8;
	_ =	sdelay $0x5  }
0xbf: {  	v7, _, _ =	vpop (xrf0)  }
0xc0: {  	(v2sf) =	vpush v7, $0xF;
	_ =	sdelay $0x7  }
0xc1: {  	s29 =	spop (v2sf)  }
0xc2: {  	v7 =	vor.u32 s24, v5;
	s25 =	sadd.s32 s25, s29  }
0xc3: {  	[tilespmem:s25+$0xC380] =	vst.msk vm11, v7  }
0xc4: {  	v7 =	vld [tilespmem:s20+$0xFFFFFFD0];
	_ =	sdelay $0x3  }
0xc5: {  	s28 =	sadd.s32 $0xFFFFFF10, s18;
	s29 =	spop (v2sf)  }
0xc6: {  	s25 =	sadd.s32 s25, s29;
	vm12 =	veq.s32 v7, v6;
	v7 =	vor.u32 s28, v5  }
0xc7: {  	[tilespmem:s25+$0xC380] =	vst.msk vm12, v7;
	v7 =	vsel vm12, $0x1, v3  }
0xc8: {  	(xrf0) =	vadd.scan.msk.s32 $0xffff, v7;
	v7 =	vld [tilespmem:s20+$0xFFFFFFE0];
	_ =	sdelay $0x4  }
0xc9: {  	vm13 =	veq.s32 v7, v6  }
0xca: {  	v7, _, _ =	vpop (xrf0);
	v8 =	vsel vm13, $0x1, v3  }
0xcb: {  	(v2sf) =	vpush v7, $0xF;
	(xrf0) =	vadd.scan.msk.s32 $0xffff, v8;
	_ =	sdelay $0x5  }
0xcc: {  	v7, _, _ =	vpop (xrf0)  }
0xcd: {  	(v2sf) =	vpush v7, $0xF;
	_ =	sdelay $0x7  }
0xce: {  	s28 =	sadd.s32 $0xFFFFFF20, s18;
	s29 =	spop (v2sf)  }
0xcf: {  	v7 =	vor.u32 s28, v5;
	s25 =	sadd.s32 s25, s29  }
0xd0: {  	[tilespmem:s25+$0xC380] =	vst.msk vm13, v7  }
0xd1: {  	v7 =	vld [tilespmem:s20+$0xFFFFFFF0];
	_ =	sdelay $0x3  }
0xd2: {  	s28 =	sadd.s32 $0xFFFFFF30, s18;
	s29 =	spop (v2sf)  }
0xd3: {  	s25 =	sadd.s32 s25, s29;
	vm14 =	veq.s32 v7, v6;
	v7 =	vor.u32 s28, v5  }
0xd4: {  	[tilespmem:s25+$0xC380] =	vst.msk vm14, v7;
	v7 =	vsel vm14, $0x1, v3  }
0xd5: {  	(xrf0) =	vadd.scan.msk.s32 $0xffff, v7;
	v7 =	vld [tilespmem:s20+$0x0];
	_ =	sdelay $0x4  }
0xd6: {  	vm15 =	veq.s32 v7, v6  }
0xd7: {  	v7, _, _ =	vpop (xrf0);
	v8 =	vsel vm15, $0x1, v3  }
0xd8: {  	(v2sf) =	vpush v7, $0xF;
	(xrf0) =	vadd.scan.msk.s32 $0xffff, v8;
	_ =	sdelay $0x5  }
0xd9: {  	v7, _, _ =	vpop (xrf0)  }
0xda: {  	(v2sf) =	vpush v7, $0xF;
	_ =	sdelay $0x7  }
0xdb: {  	s28 =	sadd.s32 $0xFFFFFF40, s18;
	s29 =	spop (v2sf)  }
0xdc: {  	v7 =	vor.u32 s28, v5;
	s25 =	sadd.s32 s25, s29  }
0xdd: {  	[tilespmem:s25+$0xC380] =	vst.msk vm15, v7  }
0xde: {  	v7 =	vld [tilespmem:s20+$0x10];
	_ =	sdelay $0x3  }
0xdf: {  	s28 =	sadd.s32 $0xFFFFFF50, s18;
	s29 =	spop (v2sf)  }
0xe0: {  	s25 =	sadd.s32 s25, s29;
	vm4 =	veq.s32 v7, v6;
	v7 =	vor.u32 s28, v5  }
0xe1: {  	[tilespmem:s25+$0xC380] =	vst.msk vm4, v7;
	v7 =	vsel vm4, $0x1, v3  }
0xe2: {  	(xrf0) =	vadd.scan.msk.s32 $0xffff, v7;
	v7 =	vld [tilespmem:s20+$0x20];
	_ =	sdelay $0x4  }
0xe3: {  	vm5 =	veq.s32 v7, v6  }
0xe4: {  	v7, _, _ =	vpop (xrf0);
	v8 =	vsel vm5, $0x1, v3  }
0xe5: {  	(v2sf) =	vpush v7, $0xF;
	(xrf0) =	vadd.scan.msk.s32 $0xffff, v8;
	_ =	sdelay $0x5  }
0xe6: {  	v7, _, _ =	vpop (xrf0)  }
0xe7: {  	(v2sf) =	vpush v7, $0xF;
	_ =	sdelay $0x7  }
0xe8: {  	s28 =	sadd.s32 $0xFFFFFF60, s18;
	s29 =	spop (v2sf)  }
0xe9: {  	v7 =	vor.u32 s28, v5;
	s25 =	sadd.s32 s25, s29  }
0xea: {  	[tilespmem:s25+$0xC380] =	vst.msk vm5, v7  }
0xeb: {  	v7 =	vld [tilespmem:s20+$0x30];
	_ =	sdelay $0x3  }
0xec: {  	s28 =	sadd.s32 $0xFFFFFF70, s18;
	s29 =	spop (v2sf)  }
0xed: {  	v8 =	vor.u32 s28, v5;
	s25 =	sadd.s32 s25, s29;
	vm6 =	veq.s32 v7, v6  }
0xee: {  	[tilespmem:s25+$0xC380] =	vst.msk vm6, v8;
	v7 =	vsel vm6, $0x1, v3  }
0xef: {  	(xrf0) =	vadd.scan.msk.s32 $0xffff, v7;
	v7 =	vld [tilespmem:s23+$0x0];
	_ =	sdelay $0x4  }
0xf0: {  	vm7 =	veq.s32 v7, v6  }
0xf1: {  	v7, _, _ =	vpop (xrf0);
	v8 =	vsel vm7, $0x1, v3  }
0xf2: {  	(v2sf) =	vpush v7, $0xF;
	(xrf0) =	vadd.scan.msk.s32 $0xffff, v8;
	_ =	sdelay $0x5  }
0xf3: {  	v7, _, _ =	vpop (xrf0)  }
0xf4: {  	(v2sf) =	vpush v7, $0xF;
	_ =	sdelay $0x7  }
0xf5: {  	s24 =	spop (v2sf)  }
0xf6: {  	v7 =	vor.u32 s22, v5;
	s23 =	sadd.s32 s25, s24  }
0xf7: {  	[tilespmem:s23+$0xC380] =	vst.msk vm7, v7  }
0xf8: {  	v7 =	vld [tilespmem:s20+$0x50];
	_ =	sdelay $0x3  }
0xf9: {  	s25 =	sadd.s32 $0xFFFFFF90, s18;
	s26 =	spop (v2sf)  }
0xfa: {  	s23 =	sadd.s32 s23, s26;
	vm8 =	veq.s32 v7, v6;
	v7 =	vor.u32 s25, v5  }
0xfb: {  	[tilespmem:s23+$0xC380] =	vst.msk vm8, v7;
	v7 =	vsel vm8, $0x1, v3  }
0xfc: {  	(xrf0) =	vadd.scan.msk.s32 $0xffff, v7;
	v7 =	vld [tilespmem:s20+$0x60];
	_ =	sdelay $0x4  }
0xfd: {  	vm9 =	veq.s32 v7, v6  }
0xfe: {  	v7, _, _ =	vpop (xrf0);
	v8 =	vsel vm9, $0x1, v3  }
0xff: {  	(v2sf) =	vpush v7, $0xF;
	(xrf0) =	vadd.scan.msk.s32 $0xffff, v8;
	_ =	sdelay $0x5  }
0x100: {  	v7, _, _ =	vpop (xrf0)  }
0x101: {  	(v2sf) =	vpush v7, $0xF;
	_ =	sdelay $0x7  }
0x102: {  	s28 =	sadd.s32 $0xFFFFFFA0, s18;
	s29 =	spop (v2sf)  }
0x103: {  	v7 =	vor.u32 s28, v5;
	s23 =	sadd.s32 s23, s29  }
0x104: {  	[tilespmem:s23+$0xC380] =	vst.msk vm9, v7  }
0x105: {  	v7 =	vld [tilespmem:s20+$0x70];
	_ =	sdelay $0x3  }
0x106: {  	s25 =	sadd.s32 $0xFFFFFFB0, s18;
	s26 =	spop (v2sf)  }
0x107: {  	s23 =	sadd.s32 s23, s26;
	vm10 =	veq.s32 v7, v6;
	v7 =	vor.u32 s25, v5  }
0x108: {  	[tilespmem:s23+$0xC380] =	vst.msk vm10, v7;
	v7 =	vsel vm10, $0x1, v3  }
0x109: {  	(xrf0) =	vadd.scan.msk.s32 $0xffff, v7;
	v7 =	vld [tilespmem:s20+$0x80];
	_ =	sdelay $0x4  }
0x10a: {  	vm11 =	veq.s32 v7, v6  }
0x10b: {  	v7, _, _ =	vpop (xrf0);
	v8 =	vsel vm11, $0x1, v3  }
0x10c: {  	(v2sf) =	vpush v7, $0xF;
	(xrf0) =	vadd.scan.msk.s32 $0xffff, v8;
	_ =	sdelay $0x5  }
0x10d: {  	v7, _, _ =	vpop (xrf0)  }
0x10e: {  	(v2sf) =	vpush v7, $0xF;
	_ =	sdelay $0x7  }
0x10f: {  	s28 =	sadd.s32 $0xFFFFFFC0, s18;
	s29 =	spop (v2sf)  }
0x110: {  	v7 =	vor.u32 s28, v5;
	s23 =	sadd.s32 s23, s29  }
0x111: {  	[tilespmem:s23+$0xC380] =	vst.msk vm11, v7  }
0x112: {  	v7 =	vld [tilespmem:s20+$0x90];
	_ =	sdelay $0x3  }
0x113: {  	s25 =	sadd.s32 $0xFFFFFFD0, s18;
	s26 =	spop (v2sf)  }
0x114: {  	s23 =	sadd.s32 s23, s26;
	vm12 =	veq.s32 v7, v6;
	v7 =	vor.u32 s25, v5  }
0x115: {  	[tilespmem:s23+$0xC380] =	vst.msk vm12, v7;
	v7 =	vsel vm12, $0x1, v3  }
0x116: {  	(xrf0) =	vadd.scan.msk.s32 $0xffff, v7;
	v7 =	vld [tilespmem:s20+$0xA0];
	_ =	sdelay $0x4  }
0x117: {  	vm13 =	veq.s32 v7, v6  }
0x118: {  	v7, _, _ =	vpop (xrf0);
	v8 =	vsel vm13, $0x1, v3  }
0x119: {  	(v2sf) =	vpush v7, $0xF;
	(xrf0) =	vadd.scan.msk.s32 $0xffff, v8;
	_ =	sdelay $0x5  }
0x11a: {  	v7, _, _ =	vpop (xrf0)  }
0x11b: {  	(v2sf) =	vpush v7, $0xF;
	_ =	sdelay $0x7  }
0x11c: {  	s28 =	sadd.s32 $0xFFFFFFE0, s18;
	s29 =	spop (v2sf)  }
0x11d: {  	v7 =	vor.u32 s28, v5;
	s23 =	sadd.s32 s23, s29  }
0x11e: {  	[tilespmem:s23+$0xC380] =	vst.msk vm13, v7  }
0x11f: {  	v7 =	vld [tilespmem:s20+$0xB0];
	_ =	sdelay $0x3  }
0x120: {  	s25 =	sadd.s32 $0xFFFFFFF0, s18;
	s26 =	spop (v2sf)  }
0x121: {  	v8 =	vor.u32 s25, v5;
	s23 =	sadd.s32 s23, s26;
	vm14 =	veq.s32 v7, v6  }
0x122: {  	[tilespmem:s23+$0xC380] =	vst.msk vm14, v8  }
0x123: {  	v7 =	vld [tilespmem:s21+$0x0];
	_ =	sdelay $0x4  }
0x124: {  	v8 =	vsel vm14, $0x1, v3;
	vm15 =	veq.s32 v7, v6  }
0x125: {  	(xrf0) =	vadd.scan.msk.s32 $0xffff, v8;
	v7 =	vsel vm15, $0x1, v3  }
0x126: {  	(xrf0) =	vadd.scan.msk.s32 $0xffff, v7;
	_ =	sdelay $0x4  }
0x127: {  	v7, _, _ =	vpop (xrf0)  }
0x128: {  	(v2sf) =	vpush v7, $0xF;
	v7, _, _ =	vpop (xrf0)  }
0x129: {  	(v2sf) =	vpush v7, $0xF;
	_ =	sdelay $0xb  }
.Ltmp6:
0x12a: {  	_ = 	snop;
	(pc) =	sbr.rel .LBB2_6-.Ltmp6, $4  }
0x12b: {  	_ = 	snop  }
0x12c: {  	s28 =	spop (v2sf)  }
0x12d: {  	v7 =	vor.u32 s18, v5;
	s21 =	sadd.s32 s23, s28;
	s29 =	spop (v2sf)  }
0x12e: {  	[tilespmem:s21+$0xC380] =	vst.msk vm15, v7;
	s25 =	sadd.s32 s21, s29  }
.LBB2_7:
0x12f: {  	s18 =	sadd.s32 $0xF, s25  }
0x130: {  	s20 =	sand.u32 $0xF, s18  }
0x131: {  	s21 =	sshra.s32 s18, $0x1F;
	p1 =	slt.s32 s18, $0x1;
	p2 =	sne.s32 s20, $0x0  }
0x132: {  	s29 =	sshrl.u32 s21, $0x1C;
	p1 =	por !p1, !p2  }
0x133: {  	s20 =	simm.s32 $0x1;
	s18 =	sadd.s32 s29, s18;
	p1 =	por !p1, !p1  }
0x134: {  	s18 =	sshra.s32 s18, $0x4;
	s20 =	simm.s32 @!p1 $0x0  }
0x135: {  	s18 =	ssub.s32 s18, s20  }
0x136: {  	p1 =	slt.s32 s18, $0x1  }
.Ltmp7:
0x137: {  	_ = 	snop;
	(pc) =	sbr.rel @p1 .LBB2_10-.Ltmp7, $1  }
0x138: {  	_ =	sdelay $0x3  }
0x139: {  	v7 =	vmov s25;
	s20 =	simm.s32 $0xC380;
	s21 =	simm.s32 $0x0  }
.LBB2_9:
0x13a: {  	v8 =	vld [tilespmem:s20+$0x0];
	_ =	sdelay $0x3  }
0x13b: {  	v9 =	vor.u32 s21, v5  }
0x13c: {  	vm0 =	vlt.s32 v9, v7;
	v8 =	vadd.s32 v0, v8  }
0x13d: {  	v8 =	vnsel vm0, $0x0, v8;
	_ =	sdelay $0x3  }
0x13e: {  	vm1 =	vmmov $0xffff  }
0x13f: {  	[tilespmem:s0], [sflag:$0x2] =	stream.indirect_vreg.gather [hbm4b:s4+s2], $0x1, v8, vm1, $0xb8;
	[tilespmem:$0x19500] =	vst v63  }
0x140: {  	_ =	swait.ge [sflag:s19], $0x10  }
0x141: {  	[sflag:s19] =	ssyncset.done $0x0  }
0x142: {  	[sflag:s19] =	ssyncadd.s32 $0xFFFFFFF0  }
0x143: {  	v8 =	vld [tilespmem:$0x19480];
	_ =	sdelay $0x4  }
0x144: {  	v8 =	vnsel vm0, $0xC3F0, v8  }
0x145: {  	v8 =	vadd.s32 v1, v8;
	_ =	sdelay $0x2  }
0x146: {  	p1 =	sne.s32 s18, $0x1  }
.Ltmp8:
0x147: {  	_ = 	snop;
	(pc) =	sbr.rel @p1 .LBB2_9-.Ltmp8, $4  }
0x148: {  	[hbm4b:s5+s2] =	stream.indirect_vreg.scatter [tilespmem:s3], [sflag:$0x2], $0x1, v8, vm1, $0xb8;
	[tilespmem:$0x19500] =	vst v63  }
0x149: {  	_ =	swait.ge [sflag:s19], $0x10  }
0x14a: {  	s20 =	sadd.s32 $0x10, s20;
	[sflag:s19] =	ssyncset.done $0x0  }
0x14b: {  	s21 =	sadd.s32 $0x10, s21;
	s18 =	sadd.s32 $0xFFFFFFFF, s18;
	[sflag:s19] =	ssyncadd.s32 $0xFFFFFFF0  }
.Ltmp9:
0x14c: {  	_ = 	snop;
	(pc) =	sbr.rel .LBB2_10-.Ltmp9, $1  }
0x14d: {  	_ =	sdelay $0x3  }
.LBB2_11:
0x14e: {  	_ =	sfence.sel $0x180000  }
0x14f: {  	[bflag:$0x0] =	sbarrier.arrive $0xFFFF  }
0x150: {  	_ =	strace $0x90000047  }
0x151: {  	s0 =	stileid.u32;
	[bflag:$0x2] =	sbarrier.arrive $0xFFFF  }
0x152: {  	p0 =	sne.s32 s0, $0x0;
	s0 =	rddreg [dreg:$0x2]  }
0x153: {  	s0 =	sadd.s32 @!p0 $0x100000, s0  }
0x154: {  	[sflag:s0] =	ssyncadd.tile.s32 @!p0 $0x1;
	_ =	shalt  }
.Lfunc_end2:
_tile_overlayer_lowered:
.L_overlay_start_2:
0x155: {  	(tag) =	ssettag $0x2  }
0x156: {  	s0 =	rddreg [dreg:$0x0];
	s2 =	stileid.u32  }
0x157: {  	s1 =	rddreg [dreg:$0x1];
	p0 =	sne.s32 s2, $0x0  }
0x158: {  	s3 =	rddreg [dreg:$0x2];
	[bflag:$0x3] =	sbarrier.arrive $0xFFFF;
	s2 =	simm.s32 @!p0 $0x1C02  }
0x159: {  	[timem:s3], [sflag:s2] =	dma.local @!p0 [hbm:s0], s1  }
0x15a: {  	s0 =	simm.s32 @!p0 $0x2  }
0x15b: {  	_ =	swait.ge @!p0 [sflag:s0], s1  }
0x15c: {  	s1 =	ssub.s32 @!p0 $0x0, s1;
	[sflag:s0] =	ssyncset.done @!p0 $0x0  }
0x15d: {  	[sflag:s0] =	ssyncadd.s32 @!p0 s1  }
0x15e: {  	[bflag:$0x3] =	sbarrier.arrive $0xFFFF  }
0x15f: {  	_ =	shalt  }

// kernel: kernel.7.cloned.1.call-start
scs
__scs_entry_jumppad:
0x0: {  	(pc) =	sbr.rel $0x88, $3  }
0x1: {  	(tag) =	ssettag $0x0;
	lr =	simm.s32 $0x1  }
0x2: {  	[smem:$0x3F9F] =	sst lr;
	_ =	strace $0xD0000000  }
0x3: {  	_ = 	snop  }
0x4: {  	_ = 	snop  }
0x5: {  	_ = 	snop  }
0x6: {  	_ = 	snop  }
0x7: {  	_ = 	snop  }
__scs_overlays_trampoline_lowered:
0x8: {  	[smem:$0x3FAE] =	sst s0  }
0x9: {  	[smem:$0x3FAF] =	sst s1  }
0xa: {  	[smem:$0x3FB0] =	sst s2  }
0xb: {  	[smem:$0x3FB1] =	sst s3  }
0xc: {  	[smem:$0x3FB2] =	sst s4  }
0xd: {  	[smem:$0x3FB3] =	sst s5  }
0xe: {  	[smem:$0x3FB4] =	sst s6  }
0xf: {  	[smem:$0x3FB5] =	sst s7  }
0x10: {  	[smem:$0x3FB6] =	sst s8  }
0x11: {  	[smem:$0x3FB7] =	sst s9;
	s0 =	simm.s32 @!p0 $0x0  }
0x12: {  	s1 =	sld [smem:$0x3F9D];
	s0 =	simm.s32 @p0 $0x1  }
0x13: {  	[smem:$0x3FB8] =	sst s0;
	s0 =	simm.s32 @!p1 $0x0  }
0x14: {  	s2 =	sld [smem:$0x3F9C];
	s0 =	simm.s32 @p1 $0x1  }
0x15: {  	[smem:$0x3FB9] =	sst s0;
	s0 =	simm.s32 @!p2 $0x0  }
0x16: {  	s3 =	sld [smem:$0x3FDB];
	s0 =	simm.s32 @p2 $0x1  }
0x17: {  	s4 =	simm.s32 $0x1BF5;
	[smem:$0x3FBB] =	sst s0  }
0x18: {  	s0 =	sld [smem:$0x3F9E];
	_ =	swait.ge [sflag:s4], $0x0  }
0x19: {  	s7 =	sld [smem:$0x3F9F]  }
0x1a: {  	s8 =	sadd.s32 $0xFFFFE003, lr  }
0x1b: {  	s9 =	sadd.s32 $0xFFFFFEF7, lr;
	s5 =	simm.s32 $0xFFFFFFFF;
	p2 =	slt.u32 s8, $0xFFFFF086  }
0x1c: {  	p1 =	slt.u32 s9, $0xF7A;
	s5 =	simm.s32 @!p2 $0x0  }
0x1d: {  	s5 =	simm.s32 @p1 $0x1;
	p0 =	seq.s32 s7, s2  }
0x1e: {  	s7 =	smul.u32 @!p0 $0xF7A, s2;
	p2 =	seq.s32 @!p0 s5, $0x0  }
0x1f: {  	s9 =	smul.u32 $0xF7A, s1;
	s8 =	simm.s32 @!p0 $0x1BF5;
	p2 =	por !p2, p0  }
0x20: {  	[sflag:s8] =	ssyncset.s32 @!p0 $0xFFFFF086;
	s6 =	sadd.s32 @!p0 s3, s7;
	s7 =	simm.s32 @!p0 $0x108  }
0x21: {  	s3 =	sadd.s32 s3, s9;
	s6 =	sadd.s32 @!p0 $0x88, s6;
	s7 =	simm.s32 @p2 $0x1082  }
0x22: {  	[simem:s7], [sflag:s8] =	dma.local @!p0 [hbm:s6], $0xF7A  }
0x23: {  	s9 =	sor.u32 $0xD0000000, s2;
	s6 =	simm.s32 $0x108;
	_ =	swait.ge @!p0 [sflag:s8], $0x0  }
0x24: {  	s3 =	sadd.s32 $0x88, s3;
	s6 =	simm.s32 @!p1 $0x1082;
	[sflag:s4] =	ssyncset.s32 $0xFFFFF086  }
0x25: {  	[simem:s6], [sflag:s4] =	dma.local [hbm:s3], $0xF7A  }
0x26: {  	[smem:$0x3F9F] =	sst s1;
	(tag) =	ssettag s2;
	_ =	strace s9  }
0x27: {  	s1 =	sld [smem:$0x3FAF]  }
0x28: {  	s2 =	sld [smem:$0x3FB0]  }
0x29: {  	s4 =	sld [smem:$0x3FB2]  }
0x2a: {  	p0 =	seq.s32 s5, $0x0;
	s5 =	sld [smem:$0x3FB3]  }
0x2b: {  	s6 =	sld [smem:$0x3FB4]  }
0x2c: {  	s7 =	sld [smem:$0x3FB5]  }
0x2d: {  	s3 =	simm.s32 $0x108;
	s8 =	sld [smem:$0x3FB6]  }
0x2e: {  	s3 =	simm.s32 @!p0 $0x1082;
	s9 =	sld [smem:$0x3FB7]  }
0x2f: {  	lr =	sadd.s32 s0, s3;
	s0 =	sld [smem:$0x3FAE]  }
0x30: {  	s3 =	sld [smem:$0x3FB1]  }
0x31: {  	[smem:$0x3FBA] =	sst s10  }
0x32: {  	s10 =	sld [smem:$0x3FB8];
	_ =	sdelay $0x3  }
0x33: {  	p0 =	seq.s32 s10, $0x1;
	s10 =	sld [smem:$0x3FBA];
	_ =	sdelay $0x3  }
0x34: {  	[smem:$0x3FBA] =	sst s10  }
0x35: {  	s10 =	sld [smem:$0x3FB9];
	_ =	sdelay $0x3  }
0x36: {  	p1 =	seq.s32 s10, $0x1;
	s10 =	sld [smem:$0x3FBA];
	_ =	sdelay $0x3  }
0x37: {  	[smem:$0x3FBA] =	sst s10  }
0x38: {  	s10 =	sld [smem:$0x3FBB]  }
0x39: {  	_ = 	snop;
	(pc) =	sbr.ind lr, $3  }
0x3a: {  	_ = 	snop  }
0x3b: {  	_ = 	snop  }
0x3c: {  	p2 =	seq.s32 s10, $0x1;
	s10 =	sld [smem:$0x3FBA]  }
0x3d: {  	_ =	shalt  }
0x3e: {  	_ =	shalt  }
0x3f: {  	_ =	shalt  }
0x40: {  	_ =	shalt  }
0x41: {  	_ =	shalt  }
0x42: {  	_ =	shalt  }
0x43: {  	_ =	shalt  }
0x44: {  	_ =	shalt  }
0x45: {  	_ =	shalt  }
0x46: {  	_ =	shalt  }
0x47: {  	_ =	shalt  }
0x48: {  	_ =	shalt  }
0x49: {  	_ =	shalt  }
0x4a: {  	_ =	shalt  }
0x4b: {  	_ =	shalt  }
0x4c: {  	_ =	shalt  }
0x4d: {  	_ =	shalt  }
0x4e: {  	_ =	shalt  }
0x4f: {  	_ =	shalt  }
0x50: {  	_ =	shalt  }
0x51: {  	_ =	shalt  }
0x52: {  	_ =	shalt  }
0x53: {  	_ =	shalt  }
0x54: {  	_ =	shalt  }
0x55: {  	_ =	shalt  }
0x56: {  	_ =	shalt  }
0x57: {  	_ =	shalt  }
0x58: {  	_ =	shalt  }
0x59: {  	_ =	shalt  }
0x5a: {  	_ =	shalt  }
0x5b: {  	_ =	shalt  }
0x5c: {  	_ =	shalt  }
0x5d: {  	_ =	shalt  }
0x5e: {  	_ =	shalt  }
0x5f: {  	_ =	shalt  }
0x60: {  	_ =	shalt  }
0x61: {  	_ =	shalt  }
0x62: {  	_ =	shalt  }
0x63: {  	_ =	shalt  }
0x64: {  	_ =	shalt  }
0x65: {  	_ =	shalt  }
0x66: {  	_ =	shalt  }
0x67: {  	_ =	shalt  }
0x68: {  	_ =	shalt  }
0x69: {  	_ =	shalt  }
0x6a: {  	_ =	shalt  }
0x6b: {  	_ =	shalt  }
0x6c: {  	_ =	shalt  }
0x6d: {  	_ =	shalt  }
0x6e: {  	_ =	shalt  }
0x6f: {  	_ =	shalt  }
0x70: {  	_ =	shalt  }
0x71: {  	_ =	shalt  }
0x72: {  	_ =	shalt  }
0x73: {  	_ =	shalt  }
0x74: {  	_ =	shalt  }
0x75: {  	_ =	shalt  }
0x76: {  	_ =	shalt  }
0x77: {  	_ =	shalt  }
0x78: {  	_ =	shalt  }
0x79: {  	_ =	shalt  }
0x7a: {  	_ =	shalt  }
0x7b: {  	_ =	shalt  }
0x7c: {  	_ =	shalt  }
0x7d: {  	_ =	shalt  }
0x7e: {  	_ =	shalt  }
0x7f: {  	_ =	shalt  }
0x80: {  	_ =	shalt  }
0x81: {  	_ =	shalt  }
0x82: {  	_ =	shalt  }
0x83: {  	_ =	shalt  }
0x84: {  	_ =	shalt  }
0x85: {  	_ =	shalt  }
0x86: {  	_ =	shalt  }
0x87: {  	_ =	shalt  }
.Lfunc_end0:
.L_simem_size_0:
called_computation.1_lowered:
.L_overlay_start_0:
0x88: {  	s2 =	sld [smem:$0x3FD9]  }
0x89: {  	s3 =	sld [smem:$0x3FFE];
	_ =	sdelay $0x1  }
0x8a: {  	s1 =	srdreg.scid  }
0x8b: {  	s0 =	sand.u32 $0x1, s1  }
0x8c: {  	s17 =	sshll.u32 s0, $0xA;
	s2 =	sadd.s32 s3, s2  }
0x8d: {  	s2 =	sadd.s32 s2, s17  }
0x8e: {  	[smem:$0x3FC6] =	sst s2  }
0x8f: {  	_ = 	snop  }
0x90: {  	s2 =	sld [smem:$0x3FD0];
	(tm) =	ssettm $0x1  }
0x91: {  	s18 =	sld [smem:$0x3FFB];
	_ =	sdelay $0x3  }
0x92: {  	_ =	strace s18  }
0x93: {  	s3 =	sld [smem:$0x3FFC];
	_ =	sdelay $0x3  }
0x94: {  	_ =	strace s3  }
0x95: {  	s3 =	sld [smem:$0x3FFD];
	_ =	sdelay $0x3  }
0x96: {  	_ =	strace s3  }
0x97: {  	_ =	strace $0x8FFFFFFF  }
0x98: {  	s19 =	sld [smem:$0x3FDB];
	_ =	sdelay $0x1  }
0x99: {  	s4 =	simm.s32 $_scs_section_size  }
0x9a: {  	s5 =	simm.s32 $_size__tile_overlayer_lowered;
	s6 =	simm.s32 $_tile_overlayer_lowered  }
0x9b: {  	s22 =	simm.s32 $0x1BFF;
	s21 =	sshll.u32 s6, $0x1;
	s3 =	sadd.s32 s4, s19  }
0x9c: {  	s7 =	simm.s32 $0x0;
	s20 =	sshll.u32 s5, $0x1;
	s5 =	sadd.s32 s21, s3  }
0x9d: {  	[timem:s7], [sflag:s22] =	dma.local [hbm:s5], s20  }
0x9e: {  	_ =	swait.ge [sflag:s22], s20  }
0x9f: {  	s4 =	ssub.s32 $0x0, s20;
	[sflag:s22] =	ssyncset.done $0x0  }
0xa0: {  	[sflag:s22] =	ssyncadd.s32 s4;
	_ =	sdelay $0x1  }
0xa1: {  	s23 =	simm.s32 $0x1B8B  }
0xa2: {  	_ =	swait.ge [sflag:s23], $0x1  }
0xa3: {  	[sflag:s23] =	ssyncset.done $0x0  }
0xa4: {  	s25 =	simm.s32 $0x1B8E;
	s24 =	sld [smem:$0x3FFE];
	[sflag:s23] =	ssyncadd.s32 $0xFFFFFFFF  }
0xa5: {  	s26 =	simm.s32 $execute0_lowered;
	[smem:$0x3FD2] =	sst s25  }
0xa6: {  	s5 =	sshll.u32 s26, $0x1;
	_ =	strace $0x80000049;
	[dreg:$0x1] =	wrdreg $0xFFFFFFFF  }
0xa7: {  	s28 =	simm.s32 $_size_execute0_lowered;
	s3 =	sadd.s32 s3, s5;
	[dreg:$0x0] =	wrdreg $0x0  }
0xa8: {  	s5 =	sshll.u32 s28, $0x1;
	[dreg:$0x2] =	wrdreg s3  }
0xa9: {  	[dreg:$0x3] =	wrdreg s5  }
0xaa: {  	[dreg:$0x4] =	wrdreg $0xC0  }
0xab: {  	_ =	task [dreg:s7], $0x5FFFF  }
0xac: {  	[dreg:$0x1] =	wrdreg $0xFFFFFFFF  }
0xad: {  	[dreg:$0x0] =	wrdreg $0x60  }
0xae: {  	[dreg:$0x2] =	wrdreg s24  }
0xaf: {  	[dreg:$0x3] =	wrdreg s2  }
0xb0: {  	[dreg:$0x4] =	wrdreg $0x9  }
0xb1: {  	_ =	task.clear_ibuf [dreg:s7], $0x5FFFF;
	_ =	strace $0x90000049  }
0xb2: {  	s29 =	simm.s32 $0x9;
	_ =	strace $0x8000004B  }
0xb3: {  	_ =	swait.ge [sflag:s29], $0x1  }
0xb4: {  	[sflag:s29] =	ssyncadd.s32 $0xFFFFFFFF  }
0xb5: {  	_ =	strace $0x9000004B  }
0xb6: {  	_ =	sfence  }
0xb7: {  	s30 =	sld [smem:$0x0];
	_ =	sdelay $0x2  }
0xb8: {  	s31 =	sshll.u32 s1, $0xD;
	s1 =	sshrl.u32 s1, $0x2  }
0xb9: {  	s3 =	sand.u32 $0x4000, s31;
	s1 =	sadd.s32 s1, s30  }
0xba: {  	s0 =	sor.u32 s3, s0;
	s1 =	sshll.u32 s1, $0x11  }
0xbb: {  	s0 =	sor.u32 s1, s0  }
0xbc: {  	s0 =	sadd.s32 $0x8F2B, s0  }
0xbd: {  	[sflag:s0] =	ssyncadd.remote.s32 $0x1  }
0xbe: {  	_ =	sfence.sel $0xFFFF  }
0xbf: {  	[dreg:$0x0] =	wrdreg $0xFFFFFFFF;
	(pc) =	sbr.abs _section_cstart, $3  }
0xc0: {  	[dreg:$0x1] =	wrdreg $0xFFFFFFFF  }
0xc1: {  	_ =	task.clear_ibuf [dreg:s7], $0x2FFFF;
	_ =	strace $0x9FFFFFFF  }
0xc2: {  	(tm) =	ssettm $0x7FFFFFFF  }
0xc3: {  	_ =	shalt  }
tec
execute0_lowered:
.L_overlay_start_1:
0x0: {  	(tag) =	ssettag $0x1  }
0x1: {  	s0 =	srdreg.scid;
	s4 =	rddreg [dreg:$0x0]  }
0x2: {  	s5 =	rddreg [dreg:$0x1];
	s3 =	sand.u32 $0x1, s0  }
0x3: {  	s2 =	simm.s32 $0x0;
	s0 =	stileid.u32;
	s1 =	sshll.u32 s3, $0x4  }
0x4: {  	s8 =	simm.s32 $0x680;
	s3 =	ssub.s32 $0x2, s3;
	s9 =	sor.u32 s0, s1  }
0x5: {  	[smem:$0x7FF] =	sst s2;
	s7 =	sshrl.u32 s3, $0x1;
	s6 =	smul.u32 $0x620, s9  }
0x6: {  	s1 =	rddreg [dreg:$0x2];
	_ =	strace $0x8000004A;
	s7 =	ssub.s32 s3, s7  }
0x7: {  	p0 =	seq.s32 s9, $0x1F;
	s9 =	simm.s32 $0x0;
	s6 =	sshrl.u32 s6, $0x3  }
0x8: {  	s4 =	sadd.s32 s6, s4;
	s5 =	sadd.s32 s5, s6;
	s6 =	smax.u32 s7, $0x1  }
0x9: {  	v0 =	vimm.f32 $0.0e+00;
	s7 =	simm.s32 $0x1;
	s3 =	sadd.s32 $0x62400, s4;
	s4 =	sadd.s32 $0x63C80, s4  }
.LBB2_1:
0xa: {  	[tilespmem:s2], [sflag:$0x1] =	stream.linear.gather [hbm4b:s3+s2], $0x620, $0x38;
	[tilespmem:$0x1380] =	vst v63  }
0xb: {  	_ =	swait.ge [sflag:s7], $0x620  }
0xc: {  	[sflag:s7] =	ssyncset.done $0x0  }
0xd: {  	[sflag:s7] =	ssyncadd.s32 $0xFFFFF9E0  }
0xe: {  	[tilespmem:s8], [sflag:$0x1] =	stream.linear.gather [hbm4b:s4+s2], $0x620, $0x38;
	[tilespmem:$0x1380] =	vst v63  }
0xf: {  	_ =	swait.ge [sflag:s7], $0x620  }
0x10: {  	[sflag:s7] =	ssyncset.done $0x0  }
0x11: {  	s10 =	simm.s32 $0x0;
	[sflag:s7] =	ssyncadd.s32 $0xFFFFF9E0  }
0x12: {  	v1 =	vld [tilespmem:s10+$0x0]  }
0x13: {  	v2 =	vld [tilespmem:s10+$0x680];
	_ =	sdelay $0x1  }
0x14: {  	s11 =	simm.s32 $0x40  }
.LBB2_2:
0x15: {  	p1 =	sne.s32 s11, $0x1840  }
.Ltmp0:
0x16: {  	s12 =	sshra.s32 s11, $0x2;
	(pc) =	sbr.rel @p1 .LBB2_2-.Ltmp0, $4  }
0x17: {  	s11 =	sadd.s32 $0x40, s11;
	v3 =	vor.u32 v1, v2;
	v1 =	vld [tilespmem:s12+$0x0]  }
0x18: {  	v2 =	vld [tilespmem:s12+$0x680];
	vm0 =	veq.s32 v3, $0x0  }
0x19: {  	v3 =	vsel vm0, $0xFF800000, v0  }
0x1a: {  	[tilespmem:s10+$0xD00] =	vst v3;
	s10 =	smov.u32 s12  }
0x1b: {  	_ =	sdelay $0x1  }
0x1c: {  	v1 =	vor.u32 v1, v2  }
0x1d: {  	vm0 =	veq.s32 v1, $0x0  }
0x1e: {  	v1 =	vsel vm0, $0xFF800000, v0  }
0x1f: {  	s11 =	simm.s32 @p0 $0xD00;
	[tilespmem:s10+$0xD00] =	vst v1;
	s10 =	simm.s32 @p0 $0x0  }
0x20: {  	[hbm4b:s5+s10] =	stream.linear.scatter @p0 [tilespmem:s11], [sflag:$0x1], $0x570, $0x38;
	[tilespmem:$0x1380] =	vst v63  }
0x21: {  	s10 =	simm.s32 @p0 $0x1  }
0x22: {  	s9 =	sadd.s32 $0x1, s9;
	_ =	swait.ge @p0 [sflag:s10], $0x570  }
0x23: {  	p1 =	sne.s32 s9, s6;
	[sflag:s10] =	ssyncset.done @p0 $0x0  }
0x24: {  	s11 =	simm.s32 @!p0 $0xD00;
	[sflag:s10] =	ssyncadd.s32 @p0 $0xFFFFFA90;
	s10 =	simm.s32 @!p0 $0x0  }
0x25: {  	[hbm4b:s5+s10] =	stream.linear.scatter @!p0 [tilespmem:s11], [sflag:$0x1], $0x620, $0x38;
	[tilespmem:$0x1380] =	vst v63  }
.Ltmp1:
0x26: {  	_ = 	snop;
	(pc) =	sbr.rel @p1 .LBB2_1-.Ltmp1, $4  }
0x27: {  	s10 =	simm.s32 @!p0 $0x1  }
0x28: {  	_ =	swait.ge @!p0 [sflag:s10], $0x620  }
0x29: {  	[sflag:s10] =	ssyncset.done @!p0 $0x0  }
0x2a: {  	[sflag:s10] =	ssyncadd.s32 @!p0 $0xFFFFF9E0  }
0x2b: {  	_ =	sfence.sel $0x180000  }
0x2c: {  	[bflag:$0x0] =	sbarrier.arrive $0xFFFF  }
0x2d: {  	p0 =	sne.s32 s0, $0x0;
	_ =	strace $0x9000004A  }
0x2e: {  	s0 =	sadd.s32 @!p0 $0x100000, s1;
	[bflag:$0x2] =	sbarrier.arrive $0xFFFF  }
0x2f: {  	[sflag:s0] =	ssyncadd.tile.s32 @!p0 $0x1;
	_ =	shalt  }
.Lfunc_end2:
_tile_overlayer_lowered:
.L_overlay_start_2:
0x30: {  	(tag) =	ssettag $0x2  }
0x31: {  	s0 =	rddreg [dreg:$0x0];
	s2 =	stileid.u32  }
0x32: {  	s1 =	rddreg [dreg:$0x1];
	p0 =	sne.s32 s2, $0x0  }
0x33: {  	s3 =	rddreg [dreg:$0x2];
	[bflag:$0x3] =	sbarrier.arrive $0xFFFF;
	s2 =	simm.s32 @!p0 $0x1C01  }
0x34: {  	[timem:s3], [sflag:s2] =	dma.local @!p0 [hbm:s0], s1  }
0x35: {  	s0 =	simm.s32 @!p0 $0x1  }
0x36: {  	_ =	swait.ge @!p0 [sflag:s0], s1  }
0x37: {  	s1 =	ssub.s32 @!p0 $0x0, s1;
	[sflag:s0] =	ssyncset.done @!p0 $0x0  }
0x38: {  	[sflag:s0] =	ssyncadd.s32 @!p0 s1  }
0x39: {  	[bflag:$0x3] =	sbarrier.arrive $0xFFFF  }
0x3a: {  	_ =	shalt  }

</sc_bundles>
